<compile_context>
chip_gen: v7x
topology: tpu7x:2x2x1
jax: 0.10.2.dev20260603
libtpu: 0.0.44.dev20260713+nightly
codegen_flags: <defaults>
</compile_context>

<pallas_src>
import jax
import jax.numpy as jnp
from jax.experimental import pallas as pl

_WIN = 16
_NW = 6
_NWIN = _NW * _NW * _NW
_LEN_KEEP = int(_NWIN * (1 - 0.75))


def _mask_kernel(nrow_ref, ncol_ref, x_ref, xm_ref, mask_ref):
    i = pl.program_id(1)
    j = pl.program_id(2)
    dc = x_ref.shape[-1]
    seg = dc // _NW

    nj = nrow_ref[0]
    ni = ncol_ref[0]
    nj_m = jnp.broadcast_to(nj, (_NWIN, _NWIN))
    ni_m = jnp.broadcast_to(ni, (_NWIN, _NWIN))
    row = jax.lax.broadcasted_iota(jnp.int32, (_NWIN, _NWIN), 0)
    col = jax.lax.broadcasted_iota(jnp.int32, (_NWIN, _NWIN), 1)
    less = (nj_m < ni_m) | ((nj_m == ni_m) & (col < row))
    rank = jnp.sum(less.astype(jnp.float32), axis=1, keepdims=True)
    keep = (rank < _LEN_KEEP).astype(jnp.float32)

    base = i * (_NW * _NW) + j * _NW
    lane = jax.lax.broadcasted_iota(jnp.int32, (_NWIN, dc), 1)
    wrow = jax.lax.broadcasted_iota(jnp.int32, (_NWIN, dc), 0)
    onehot = (wrow == base + lane // seg).astype(jnp.float32)
    keep_lane = jnp.sum(keep * onehot, axis=0, keepdims=True)
    keep_b = keep_lane.reshape(1, 1, 1, dc)
    mask_ref[...] = jnp.broadcast_to(1.0 - keep_b, mask_ref.shape)
    xm_ref[...] = x_ref[...] * keep_b


def kernel(x, noise):
    B, H, W, D, C = x.shape
    dc = D * C
    xr = x.reshape(B, H, W, dc)
    nrow = noise.reshape(B, 1, _NWIN)
    ncol = noise.reshape(B, _NWIN, 1)

    grid = (B, H // _WIN, W // _WIN)
    blk = (1, _WIN, _WIN, dc)
    xm, mask = pl.pallas_call(
        _mask_kernel,
        grid=grid,
        in_specs=[
            pl.BlockSpec((1, 1, _NWIN), lambda b, i, j: (b, 0, 0)),
            pl.BlockSpec((1, _NWIN, 1), lambda b, i, j: (b, 0, 0)),
            pl.BlockSpec(blk, lambda b, i, j: (b, i, j, 0)),
        ],
        out_specs=[
            pl.BlockSpec(blk, lambda b, i, j: (b, i, j, 0)),
            pl.BlockSpec(blk, lambda b, i, j: (b, i, j, 0)),
        ],
        out_shape=[
            jax.ShapeDtypeStruct((B, H, W, dc), x.dtype),
            jax.ShapeDtypeStruct((B, H, W, dc), x.dtype),
        ],
    )(nrow, ncol, xr)
    return xm.reshape(B, H, W, D, C), mask.reshape(B, H, W, D, C)

# --- scband reference (transcript-rebuilt; emitter-appended) ---
"""Pipeline reference for scband-sslmasking-layer3-d-43490838840027 (READ-ONLY COPY).

The authoritative reference and input builder live on the scoring server;
editing this copy changes nothing except your own understanding.
"""

import jax, jax.numpy as jnp
import numpy as np

MASK_RATIO = 0.75
WINDOW = (16, 16, 16)


def setup_inputs(seed: int = 0) -> dict:
    key = jax.random.key(seed)
    k1, k2 = jax.random.split(key)
    x = jax.random.normal(k1, (2, 96, 96, 96, 16), dtype=jnp.float32)
    noise = jax.random.uniform(k2, (2, 216), dtype=jnp.float32)
    return {"x": x, "noise": noise}


def reference(x, noise):
    B, H, W, D, C = x.shape
    wh, ww, wd = WINDOW
    pad_h = (wh - H % wh) % wh
    pad_w = (ww - W % ww) % ww
    pad_d = (wd - D % wd) % wd
    if pad_h > 0 or pad_w > 0 or pad_d > 0:
        x = jnp.pad(x, ((0, 0), (0, pad_h), (0, pad_w), (0, pad_d), (0, 0)))
        B, H, W, D, C = x.shape
    N = H * W * D
    num_win_h = H // wh
    num_win_w = W // ww
    num_win_d = D // wd
    num_windows = num_win_h * num_win_w * num_win_d
    len_keep = int(num_windows * (1 - MASK_RATIO))
    # shuffle windows by random noise, keep first len_keep (random masking)
    ids_shuffle = jnp.argsort(noise, axis=1)
    ids_keep = ids_shuffle[:, :len_keep]  # [B, len_keep]
    # unravel kept window ids into (i, j, k) window coords
    i = ids_keep // (num_win_w * num_win_d)
    rem = ids_keep % (num_win_w * num_win_d)
    j = rem // num_win_d
    k = rem % num_win_d
    # intra-window voxel offsets [wh, ww, wd]
    gh, gw, gd = jnp.meshgrid(jnp.arange(wh), jnp.arange(ww), jnp.arange(wd), indexing="ij")
    # absolute voxel coords for every kept window: [B, len_keep, wh, ww, wd]
    h_idx = i[:, :, None, None, None] * wh + gh[None, None]
    w_idx = j[:, :, None, None, None] * ww + gw[None, None]
    d_idx = k[:, :, None, None, None] * wd + gd[None, None]
    flat_ids = h_idx * (W * D) + w_idx * D + d_idx
    flat_ids = flat_ids.reshape(B, -1)  # [B, len_keep * wh * ww * wd]
    # scatter zeros (visible) into all-ones mask (masked)
    mask = jnp.ones((B, N), dtype=x.dtype)
    mask = mask.at[jnp.arange(B)[:, None], flat_ids].set(0.0)
    mask = mask.reshape(B, H, W, D)
    mask = jnp.repeat(mask[..., None], C, axis=-1)  # [B, H, W, D, C]
    x_masked = x * (1.0 - mask)
    return (x_masked, mask)

if __name__ == "__main__":
    import jax
    _d = setup_inputs()
    print(jax.jit(kernel)(*tuple(_d.values())))

</pallas_src>

<mosaic_0001>
module attributes {stable_mosaic.version = 14 : i64} {
  func.func @_mask_kernel(%arg0: i32, %arg1: i32, %arg2: i32, %arg3: memref<1x1x216xf32, #tpu.memory_space<vmem>>, %arg4: memref<1x216x1xf32, #tpu.memory_space<vmem>>, %arg5: memref<1x16x16x1536xf32, #tpu.memory_space<vmem>>, %arg6: memref<1x16x16x1536xf32, #tpu.memory_space<vmem>>, %arg7: memref<1x16x16x1536xf32, #tpu.memory_space<vmem>>) attributes {dimension_semantics = [#tpu.dimension_semantics<arbitrary>, #tpu.dimension_semantics<arbitrary>, #tpu.dimension_semantics<arbitrary>], iteration_bounds = array<i64: 2, 6, 6>, scalar_prefetch = 0 : i64, scratch_operands = 0 : i64, tpu.core_type = #tpu.core_type<tc>, window_params = [{transform_indices = @transform_0, window_bounds = array<i64: 1, 1, 216>}, {transform_indices = @transform_1, window_bounds = array<i64: 1, 216, 1>}, {transform_indices = @transform_2, window_bounds = array<i64: 1, 16, 16, 1536>}, {transform_indices = @transform_3, window_bounds = array<i64: 1, 16, 16, 1536>}, {transform_indices = @transform_4, window_bounds = array<i64: 1, 16, 16, 1536>}]} {
    %get3A = arith.constant 0 : index
    %get3A_0 = arith.constant 0 : index
    %get3A_1 = arith.constant 0 : index
    %get3A_2 = vector.load %arg3[%get3A, %get3A_0, %get3A_1] : memref<1x1x216xf32, #tpu.memory_space<vmem>>, vector<1x1x216xf32>
    %get3A_3 = vector.shape_cast %get3A_2 : vector<1x1x216xf32> to vector<1x216xf32>
    %get3A_4 = arith.constant 0 : index
    %get3A_5 = arith.constant 0 : index
    %get3A_6 = arith.constant 0 : index
    %get3A_7 = vector.load %arg4[%get3A_4, %get3A_5, %get3A_6] : memref<1x216x1xf32, #tpu.memory_space<vmem>>, vector<1x216x1xf32>
    %get3A_8 = vector.shape_cast %get3A_7 : vector<1x216x1xf32> to vector<216x1xf32>
    %broadcast_in_dim3A = vector.shape_cast %get3A_3 : vector<1x216xf32> to vector<1x216xf32>
    %broadcast_in_dim3A_9 = vector.broadcast %broadcast_in_dim3A : vector<1x216xf32> to vector<216x216xf32>
    %broadcast_in_dim3A_10 = vector.shape_cast %get3A_8 : vector<216x1xf32> to vector<216x1xf32>
    %broadcast_in_dim3A_11 = vector.broadcast %broadcast_in_dim3A_10 : vector<216x1xf32> to vector<216x216xf32>
    %iota3A = tpu.iota {dimensions = array<i32: 0>} : vector<216x216xi32>
    %iota3A_12 = tpu.iota {dimensions = array<i32: 1>} : vector<216x216xi32>
    %lt3A = arith.cmpf olt, %broadcast_in_dim3A_9, %broadcast_in_dim3A_11 : vector<216x216xf32>
    %eq3A = arith.cmpf oeq, %broadcast_in_dim3A_9, %broadcast_in_dim3A_11 : vector<216x216xf32>
    %lt3A_13 = arith.cmpi slt, %iota3A_12, %iota3A : vector<216x216xi32>
    %and3A = arith.andi %eq3A, %lt3A_13 : vector<216x216xi1>
    %or3A = arith.ori %lt3A, %and3A : vector<216x216xi1>
    %convert_element_type3A = arith.extui %or3A : vector<216x216xi1> to vector<216x216xi32>
    %convert_element_type3A_14 = arith.sitofp %convert_element_type3A : vector<216x216xi32> to vector<216x216xf32>
    %reduce_sum3A = arith.constant dense<0.000000e+00> : vector<216xf32>
    %reduce_sum3A_15 = vector.multi_reduction <add>, %convert_element_type3A_14, %reduce_sum3A [1] : vector<216x216xf32> to vector<216xf32>
    %broadcast_in_dim3A_16 = vector.shape_cast %reduce_sum3A_15 : vector<216xf32> to vector<216x1xf32>
    %lt3A_17 = arith.constant 5.400000e+01 : f32
    %lt3A_18 = vector.broadcast %lt3A_17 : f32 to vector<216x1xf32>
    %lt3A_19 = arith.cmpf olt, %broadcast_in_dim3A_16, %lt3A_18 : vector<216x1xf32>
    %convert_element_type3A_20 = arith.extui %lt3A_19 : vector<216x1xi1> to vector<216x1xi32>
    %convert_element_type3A_21 = arith.sitofp %convert_element_type3A_20 : vector<216x1xi32> to vector<216x1xf32>
    %mul3A = arith.constant 36 : i32
    %mul3A_22 = arith.muli %arg1, %mul3A : i32
    %mul3A_23 = arith.constant 6 : i32
    %mul3A_24 = arith.muli %arg2, %mul3A_23 : i32
    %add3A = arith.addi %mul3A_22, %mul3A_24 : i32
    %iota3A_25 = tpu.iota {dimensions = array<i32: 1>} : vector<216x1536xi32>
    %iota3A_26 = tpu.iota {dimensions = array<i32: 0>} : vector<216x1536xi32>
    %jit3A = arith.constant 256 : i32
    %div3A = vector.broadcast %jit3A : i32 to vector<216x1536xi32>
    %div3A_27 = arith.divsi %iota3A_25, %div3A : vector<216x1536xi32>
    %sign3A = arith.constant 0 : i32
    %sign3A_28 = vector.broadcast %sign3A : i32 to vector<216x1536xi32>
    %sign3A_29 = arith.cmpi sgt, %iota3A_25, %sign3A_28 : vector<216x1536xi32>
    %sign3A_30 = arith.extui %sign3A_29 : vector<216x1536xi1> to vector<216x1536xi32>
    %sign3A_31 = arith.constant 0 : i32
    %sign3A_32 = vector.broadcast %sign3A_31 : i32 to vector<216x1536xi32>
    %sign3A_33 = arith.cmpi slt, %iota3A_25, %sign3A_32 : vector<216x1536xi32>
    %sign3A_34 = arith.extui %sign3A_33 : vector<216x1536xi1> to vector<216x1536xi32>
    %sign3A_35 = arith.subi %sign3A_30, %sign3A_34 : vector<216x1536xi32>
    %sign3A_36 = arith.constant 0 : i32
    %sign3A_37 = arith.cmpi sgt, %jit3A, %sign3A_36 : i32
    %sign3A_38 = arith.extui %sign3A_37 : i1 to i32
    %sign3A_39 = arith.constant 0 : i32
    %sign3A_40 = arith.cmpi slt, %jit3A, %sign3A_39 : i32
    %sign3A_41 = arith.extui %sign3A_40 : i1 to i32
    %sign3A_42 = arith.subi %sign3A_38, %sign3A_41 : i32
    %ne3A = vector.broadcast %sign3A_42 : i32 to vector<216x1536xi32>
    %ne3A_43 = arith.cmpi ne, %sign3A_35, %ne3A : vector<216x1536xi32>
    %rem3A = vector.broadcast %jit3A : i32 to vector<216x1536xi32>
    %rem3A_44 = arith.remsi %iota3A_25, %rem3A : vector<216x1536xi32>
    %ne3A_45 = arith.constant 0 : i32
    %ne3A_46 = vector.broadcast %ne3A_45 : i32 to vector<216x1536xi32>
    %ne3A_47 = arith.cmpi ne, %rem3A_44, %ne3A_46 : vector<216x1536xi32>
    %and3A_48 = arith.andi %ne3A_43, %ne3A_47 : vector<216x1536xi1>
    %sub3A = arith.constant 1 : i32
    %sub3A_49 = vector.broadcast %sub3A : i32 to vector<216x1536xi32>
    %sub3A_50 = arith.subi %div3A_27, %sub3A_49 : vector<216x1536xi32>
    %select_n3A = arith.select %and3A_48, %sub3A_50, %div3A_27 : vector<216x1536xi1>, vector<216x1536xi32>
    %add3A_51 = vector.broadcast %add3A : i32 to vector<216x1536xi32>
    %add3A_52 = arith.addi %add3A_51, %select_n3A : vector<216x1536xi32>
    %eq3A_53 = arith.cmpi eq, %iota3A_26, %add3A_52 : vector<216x1536xi32>
    %convert_element_type3A_54 = arith.extui %eq3A_53 : vector<216x1536xi1> to vector<216x1536xi32>
    %convert_element_type3A_55 = arith.sitofp %convert_element_type3A_54 : vector<216x1536xi32> to vector<216x1536xf32>
    %mul3A_56 = vector.broadcast %convert_element_type3A_21 : vector<216x1xf32> to vector<216x1536xf32>
    %mul3A_57 = arith.mulf %mul3A_56, %convert_element_type3A_55 : vector<216x1536xf32>
    %reduce_sum3A_58 = arith.constant dense<0.000000e+00> : vector<1536xf32>
    %reduce_sum3A_59 = vector.multi_reduction <add>, %mul3A_57, %reduce_sum3A_58 [0] : vector<216x1536xf32> to vector<1536xf32>
    %broadcast_in_dim3A_60 = vector.shape_cast %reduce_sum3A_59 : vector<1536xf32> to vector<1x1536xf32>
    %reshape3A = vector.shape_cast %broadcast_in_dim3A_60 : vector<1x1536xf32> to vector<1x1x1x1536xf32>
    %sub3A_61 = arith.constant 1.000000e+00 : f32
    %sub3A_62 = vector.broadcast %sub3A_61 : f32 to vector<1x1x1x1536xf32>
    %sub3A_63 = arith.subf %sub3A_62, %reshape3A : vector<1x1x1x1536xf32>
    %broadcast_in_dim3A_64 = vector.shape_cast %sub3A_63 : vector<1x1x1x1536xf32> to vector<1x1x1x1536xf32>
    %broadcast_in_dim3A_65 = vector.broadcast %broadcast_in_dim3A_64 : vector<1x1x1x1536xf32> to vector<1x16x16x1536xf32>
    %swap3A = arith.constant 0 : index
    %swap3A_66 = arith.constant 0 : index
    %swap3A_67 = arith.constant 0 : index
    %swap3A_68 = arith.constant 0 : index
    %swap3A_69 = vector.load %arg7[%swap3A, %swap3A_66, %swap3A_67, %swap3A_68] : memref<1x16x16x1536xf32, #tpu.memory_space<vmem>>, vector<1x16x16x1536xf32>
    tpu.vector_store %arg7[%swap3A, %swap3A_66, %swap3A_67, %swap3A_68], %broadcast_in_dim3A_65 {strides = array<i32>} : memref<1x16x16x1536xf32, #tpu.memory_space<vmem>>, vector<1x16x16x1536xf32>,
    %get3A_70 = arith.constant 0 : index
    %get3A_71 = arith.constant 0 : index
    %get3A_72 = arith.constant 0 : index
    %get3A_73 = arith.constant 0 : index
    %get3A_74 = vector.load %arg5[%get3A_70, %get3A_71, %get3A_72, %get3A_73] : memref<1x16x16x1536xf32, #tpu.memory_space<vmem>>, vector<1x16x16x1536xf32>
    %mul3A_75 = vector.broadcast %reshape3A : vector<1x1x1x1536xf32> to vector<1x16x16x1536xf32>
    %mul3A_76 = arith.mulf %get3A_74, %mul3A_75 : vector<1x16x16x1536xf32>
    %swap3A_77 = arith.constant 0 : index
    %swap3A_78 = arith.constant 0 : index
    %swap3A_79 = arith.constant 0 : index
    %swap3A_80 = arith.constant 0 : index
    %swap3A_81 = vector.load %arg6[%swap3A_77, %swap3A_78, %swap3A_79, %swap3A_80] : memref<1x16x16x1536xf32, #tpu.memory_space<vmem>>, vector<1x16x16x1536xf32>
    tpu.vector_store %arg6[%swap3A_77, %swap3A_78, %swap3A_79, %swap3A_80], %mul3A_76 {strides = array<i32>} : memref<1x16x16x1536xf32, #tpu.memory_space<vmem>>, vector<1x16x16x1536xf32>,
    return
  }
  func.func @transform_0(%arg0: i32, %arg1: i32, %arg2: i32) -> (i32, i32, i32) {
    %c0_i32 = arith.constant 0 : i32
    %c0_i32_0 = arith.constant 0 : i32
    %c0_i32_1 = arith.constant 0 : i32
    return %arg0, %c0_i32, %c0_i32_0 : i32, i32, i32
  }
  func.func @transform_1(%arg0: i32, %arg1: i32, %arg2: i32) -> (i32, i32, i32) {
    %c0_i32 = arith.constant 0 : i32
    %c0_i32_0 = arith.constant 0 : i32
    %c0_i32_1 = arith.constant 0 : i32
    return %arg0, %c0_i32, %c0_i32_0 : i32, i32, i32
  }
  func.func @transform_2(%arg0: i32, %arg1: i32, %arg2: i32) -> (i32, i32, i32, i32) {
    %c0_i32 = arith.constant 0 : i32
    %c0_i32_0 = arith.constant 0 : i32
    return %arg0, %arg1, %arg2, %c0_i32 : i32, i32, i32, i32
  }
  func.func @transform_3(%arg0: i32, %arg1: i32, %arg2: i32) -> (i32, i32, i32, i32) {
    %c0_i32 = arith.constant 0 : i32
    %c0_i32_0 = arith.constant 0 : i32
    return %arg0, %arg1, %arg2, %c0_i32 : i32, i32, i32, i32
  }
  func.func @transform_4(%arg0: i32, %arg1: i32, %arg2: i32) -> (i32, i32, i32, i32) {
    %c0_i32 = arith.constant 0 : i32
    %c0_i32_0 = arith.constant 0 : i32
    return %arg0, %arg1, %arg2, %c0_i32 : i32, i32, i32, i32
  }
}

</mosaic_0001>

<sc_bundles>
// kernel: sparse-core-data-format-call.1.cloned.1.call-start
scs
called_computation.1_lowered:
.L_overlay_start_0:
0x0: {  	s2 =	sld [smem:$0x3FD9]  }
0x1: {  	s3 =	sld [smem:$0x3FFE];
	_ =	sdelay $0x1  }
0x2: {  	s1 =	srdreg.scid  }
0x3: {  	s0 =	sand.u32 $0x1, s1  }
0x4: {  	s16 =	sshll.u32 s0, $0xA;
	s2 =	sadd.s32 s3, s2  }
0x5: {  	s2 =	sadd.s32 s2, s16  }
0x6: {  	[smem:$0x3FC6] =	sst s2  }
0x7: {  	_ = 	snop  }
0x8: {  	s2 =	sld [smem:$0x3FD0];
	_ =	sdelay $0x2  }
0x9: {  	s17 =	simm.s32 $0xB;
	s4 =	simm.s32 $0x10  }
0xa: {  	[smem:s4], [sflag:s17] =	dma.local [hbm:s2], $0x1  }
0xb: {  	_ =	swait.eq [sflag:s17], $0x1  }
0xc: {  	[sflag:s17] =	ssyncset.done $0x0  }
0xd: {  	[sflag:s17] =	ssyncadd.s32 $0xFFFFFFFF  }
0xe: {  	s18 =	sld [smem:$0x10];
	(tm) =	ssettm $0x1  }
0xf: {  	s19 =	sld [smem:$0x3FFB];
	_ =	sdelay $0x3  }
0x10: {  	_ =	strace s19  }
0x11: {  	s2 =	sld [smem:$0x3FFC];
	_ =	sdelay $0x3  }
0x12: {  	_ =	strace s2  }
0x13: {  	s2 =	sld [smem:$0x3FFD];
	_ =	sdelay $0x3  }
0x14: {  	_ =	strace s2  }
0x15: {  	_ =	strace $0x8FFFFFFF  }
0x16: {  	s20 =	sld [smem:$0x3FDB];
	_ =	sdelay $0x1  }
0x17: {  	s21 =	simm.s32 $_scs_section_size  }
0x18: {  	s5 =	simm.s32 $_size__tile_overlayer_lowered;
	s6 =	simm.s32 $_tile_overlayer_lowered  }
0x19: {  	s7 =	simm.s32 $0x1BFF;
	s22 =	sshll.u32 s6, $0x1;
	s4 =	sadd.s32 s21, s20  }
0x1a: {  	s23 =	simm.s32 $0x0;
	s5 =	sshll.u32 s5, $0x1;
	s6 =	sadd.s32 s22, s4  }
0x1b: {  	[timem:s23], [sflag:s7] =	dma.local [hbm:s6], s5  }
0x1c: {  	_ =	swait.ge [sflag:s7], s5  }
0x1d: {  	s5 =	ssub.s32 $0x0, s5;
	[sflag:s7] =	ssyncset.done $0x0  }
0x1e: {  	[sflag:s7] =	ssyncadd.s32 s5;
	_ =	sdelay $0x1  }
0x1f: {  	s24 =	simm.s32 $0x1B8B  }
0x20: {  	_ =	swait.ge [sflag:s24], $0x1  }
0x21: {  	[sflag:s24] =	ssyncset.done $0x0  }
0x22: {  	[sflag:s24] =	ssyncadd.s32 $0xFFFFFFFF  }
0x23: {  	s5 =	sld [smem:$0x0]  }
0x24: {  	s6 =	sand.u32 $0xFFFFFFFE, s1  }
0x25: {  	p0 =	sne.s32 s1, s6  }
0x26: {  	s6 =	sshll.u32 @p0 s6, $0xE  }
0x27: {  	s6 =	sadd.s32 @p0 $0x11B8D, s6;
	s7 =	sshll.u32 @p0 s5, $0x11  }
0x28: {  	s6 =	sor.u32 @p0 s7, s6  }
0x29: {  	[sflag:s6] =	ssyncadd.remote.s32 @p0 $0x1;
	_ =	sdelay $0x1  }
0x2a: {  	s6 =	simm.s32 @p0 $0x1B8D  }
0x2b: {  	_ =	swait.eq @p0 [sflag:s6], $0x1  }
0x2c: {  	[sflag:s6] =	ssyncadd.s32 @p0 $0xFFFFFFFF  }
0x2d: {  	s7 =	sshll.u32 @!p0 s1, $0xE  }
0x2e: {  	s7 =	sor.u32 @!p0 $0x4000, s7;
	s6 =	simm.s32 @!p0 $0x1B8D  }
0x2f: {  	s5 =	sshll.u32 @!p0 s5, $0x11;
	s7 =	sadd.s32 @!p0 $0x11B8D, s7;
	_ =	swait.eq @!p0 [sflag:s6], $0x1  }
0x30: {  	s5 =	sor.u32 @!p0 s5, s7;
	[sflag:s6] =	ssyncadd.s32 @!p0 $0xFFFFFFFF  }
0x31: {  	s26 =	simm.s32 $0x1B8E;
	s25 =	sld [smem:$0x3FFE];
	[sflag:s5] =	ssyncadd.remote.s32 @!p0 $0x1  }
0x32: {  	s27 =	simm.s32 $execute0_lowered;
	[smem:$0x3FD2] =	sst s26  }
0x33: {  	s6 =	sshll.u32 s27, $0x1;
	_ =	strace $0x80000049;
	[dreg:$0x1] =	wrdreg $0xFFFFFFFF  }
0x34: {  	s28 =	simm.s32 $_size_execute0_lowered;
	s4 =	sadd.s32 s4, s6;
	[dreg:$0x0] =	wrdreg $0x0  }
0x35: {  	s6 =	sshll.u32 s28, $0x1;
	[dreg:$0x2] =	wrdreg s4  }
0x36: {  	[dreg:$0x3] =	wrdreg s6  }
0x37: {  	[dreg:$0x4] =	wrdreg $0xC0  }
0x38: {  	_ =	task [dreg:s23], $0x5FFFF  }
0x39: {  	[dreg:$0x1] =	wrdreg $0xFFFFFFFF  }
0x3a: {  	[dreg:$0x0] =	wrdreg $0x60  }
0x3b: {  	[dreg:$0x2] =	wrdreg s25  }
0x3c: {  	[dreg:$0x3] =	wrdreg s18  }
0x3d: {  	[dreg:$0x4] =	wrdreg $0xA  }
0x3e: {  	_ =	task.clear_ibuf [dreg:s23], $0x5FFFF;
	_ =	strace $0x90000049  }
0x3f: {  	s29 =	simm.s32 $0xA;
	_ =	strace $0x8000004B  }
0x40: {  	_ =	swait.ge [sflag:s29], $0x1  }
0x41: {  	[sflag:s29] =	ssyncadd.s32 $0xFFFFFFFF  }
0x42: {  	_ =	strace $0x9000004B  }
0x43: {  	_ =	sfence  }
0x44: {  	s30 =	sld [smem:$0x0];
	_ =	sdelay $0x2  }
0x45: {  	s31 =	sshll.u32 s1, $0xD;
	s1 =	sshrl.u32 s1, $0x2  }
0x46: {  	s4 =	sand.u32 $0x4000, s31;
	s1 =	sadd.s32 s1, s30  }
0x47: {  	s0 =	sor.u32 s4, s0;
	s1 =	sshll.u32 s1, $0x11  }
0x48: {  	s0 =	sor.u32 s1, s0  }
0x49: {  	s0 =	sadd.s32 $0x8F2B, s0  }
0x4a: {  	[sflag:s0] =	ssyncadd.remote.s32 $0x1  }
0x4b: {  	_ =	sfence.sel $0xFFFF  }
0x4c: {  	[dreg:$0x0] =	wrdreg $0xFFFFFFFF;
	(pc) =	sbr.abs _section_cstart, $3  }
0x4d: {  	[dreg:$0x1] =	wrdreg $0xFFFFFFFF  }
0x4e: {  	_ =	task.clear_ibuf [dreg:s23], $0x2FFFF;
	_ =	strace $0x9FFFFFFF  }
0x4f: {  	(tm) =	ssettm $0x7FFFFFFF  }
tec
execute0_lowered:
.L_overlay_start_1:
0x0: {  	(tag) =	ssettag $0x1  }
0x1: {  	s0 =	rddreg [dreg:$0x0]  }
0x2: {  	s4 =	stileid.u32;
	_ =	strace $0x8000004A;
	s2 =	srdreg.scid  }
0x3: {  	s30 =	simm.s32 $0x1;
	s31 =	simm.s32 $0x2;
	s22 =	simm.s32 $0x0  }
0x4: {  	s21 =	simm.s32 $0x0;
	s23 =	simm.s32 $0x0;
	s24 =	simm.s32 $0x0  }
0x5: {  	s12 =	simm.s32 $0x0;
	s13 =	simm.s32 $0x0;
	s14 =	simm.s32 $0x0  }
0x6: {  	s18 =	simm.s32 $0x0;
	s15 =	simm.s32 $0x0;
	s19 =	simm.s32 $0x0  }
0x7: {  	s20 =	simm.s32 $0x0;
	s7 =	sand.u32 $0x1, s4;
	s29 =	sshll.u32 s2, $0x4  }
0x8: {  	s8 =	sadd.s32 $0x7E0E00, s0;
	s1 =	ssub.s32 $0x2, s7;
	s0 =	sand.u32 $0x10, s29  }
0x9: {  	[dreg:$0x3] =	wrdreg s7;
	s3 =	sshrl.u32 s1, $0x1;
	s1 =	sand.u32 $0x1, s1  }
.Ltmp0:
0xa: {  	s0 =	sor.u32 s4, s0;
	s1 =	sadd.s32 s1, s3;
	(pc) =	sbr.rel .LBB1_1-.Ltmp0, $4  }
0xb: {  	[dreg:$0x4] =	wrdreg s8;
	s10 =	sshrl.u32 s0, $0x1;
	s9 =	smul.u32 $0x60, s1  }
0xc: {  	s26 =	simm.s32 $0x0;
	[sflag:s30] =	ssyncpa.u1 $0x0;
	[dreg:$0x6] =	wrdreg s10  }
0xd: {  	[sflag:s31] =	ssyncpa.u1 $0x0;
	s11 =	sor.u32 $0x1, s9;
	[dreg:$0x5] =	wrdreg s9  }
0xe: {  	s17 =	smov.u32 s7;
	s16 =	smov.u32 s10;
	[dreg:$0x7] =	wrdreg s11  }
.LBB1_15:
0xf: {  	s13 =	rddreg [dreg:$0x9]  }
0x10: {  	s1 =	rddreg [dreg:$0x15]  }
0x11: {  	s12 =	rddreg [dreg:$0x8]  }
0x12: {  	s4 =	rddreg [dreg:$0x13]  }
0x13: {  	s23 =	rddreg [dreg:$0x14]  }
0x14: {  	s18 =	rddreg [dreg:$0xc]  }
0x15: {  	s14 =	rddreg [dreg:$0xa]  }
0x16: {  	s5 =	rddreg [dreg:$0x1]  }
0x17: {  	s29 =	rddreg [dreg:$0x16]  }
0x18: {  	s7 =	rddreg [dreg:$0x3]  }
0x19: {  	s8 =	rddreg [dreg:$0x4]  }
0x1a: {  	s9 =	rddreg [dreg:$0x5]  }
0x1b: {  	s10 =	rddreg [dreg:$0x6]  }
0x1c: {  	s11 =	rddreg [dreg:$0x7]  }
0x1d: {  	s15 =	rddreg [dreg:$0xb]  }
0x1e: {  	s19 =	rddreg [dreg:$0xd]  }
0x1f: {  	s31 =	simm.s32 $0x800;
	s20 =	rddreg [dreg:$0xe]  }
0x20: {  	s21 =	rddreg [dreg:$0xf];
	p0 =	sgt.s32 s13, $0x0;
	s0 =	smov.u32 s13  }
0x21: {  	s22 =	sshll.u32 s12, $0x7;
	s24 =	smul.u32 $0x240000, s18;
	s0 =	simm.s32 @!p0 $0x0  }
0x22: {  	s2 =	sshll.u32 s13, $0x3;
	s25 =	smul.u32 $0x6000, s14;
	s0 =	sadd.s32 s0, s1  }
0x23: {  	s27 =	sshrl.u32 s13, $0x3;
	p0 =	sgt.s32 s0, $0x7F;
	s0 =	ssub.s32 $0x80, s0  }
0x24: {  	s3 =	sand.u32 $0x400, s22;
	s2 =	sand.u32 $0x400, s2;
	s0 =	simm.s32 @p0 $0x0  }
0x25: {  	s28 =	sand.u32 $0x7, s13;
	s2 =	sadd.s32 s2, s3;
	s0 =	smul.u32 s0, s4  }
0x26: {  	s1 =	sand.u32 $0x380, s22;
	s3 =	sshll.u32 s28, $0x12;
	s22 =	rddreg [dreg:$0x10]  }
0x27: {  	s1 =	sor.u32 s1, s2;
	s2 =	sadd.s32 s5, s24;
	s0 =	smul.u32 s23, s0  }
0x28: {  	s30 =	sor.u32 $0x80, s3;
	s24 =	rddreg [dreg:$0x12];
	s1 =	sshrl.u32 s1, $0x3  }
0x29: {  	s2 =	sadd.s32 s25, s2;
	s4 =	sand.u32 $0xF, s27;
	s0 =	smul.u32 $0x60, s0  }
0x2a: {  	s1 =	sand.u32 $0xF0, s1;
	s2 =	sadd.s32 s4, s2;
	s4 =	sor.u32 $0x8000, s29  }
0x2b: {  	s1 =	sadd.s32 s1, s2;
	s23 =	rddreg [dreg:$0x11];
	s0 =	sand.u32 $0x3FFFFFE0, s0  }
0x2c: {  	[hbm4b:s1+s30] =	stream.strided.scatter [tilespmem:s4], [sflag:$0x2], s0, s31, s30, $0x20;
	[tilespmem:$0x10100] =	vst v63  }
.LBB1_16:
0x2d: {  	p0 =	slt.u32 s20, $0x2;
	s0 =	smov.u32 s24  }
0x2e: {  	s2 =	smov.u32 s23;
	p1 =	sgt.s32 @!p0 s24, $0x1;
	s1 =	sshra.s32 @!p0 s24, $0x1F  }
0x2f: {  	s3 =	sshra.s32 @!p0 s23, $0x1F;
	p3 =	sgt.s32 @!p0 s22, $0xF;
	s4 =	ssub.s32 @!p0 $0x0, s21  }
0x30: {  	p1 =	por !p1, p0;
	s1 =	sand.u32 @!p0 s1, s24;
	s3 =	sand.u32 @!p0 s3, s23  }
0x31: {  	s0 =	simm.s32 @p1 $0x1;
	p1 =	sgt.s32 @!p0 s23, $0x5F;
	s1 =	sxor.u32 @!p0 $0xFFFFFFFF, s1  }
0x32: {  	p3 =	por !p3, p0;
	p1 =	por !p1, p0;
	s0 =	sadd.s32 @!p0 s1, s0  }
0x33: {  	s2 =	simm.s32 @p1 $0x5F;
	p1 =	sgt.s32 @!p0 s0, $0x0;
	s0 =	ssub.s32 @!p0 $0x1, s0  }
0x34: {  	s1 =	ssub.s32 @!p0 s2, s3;
	s3 =	sshra.s32 @!p0 s22, $0x1F;
	s0 =	smul.u32 @!p0 $0x60, s0  }
0x35: {  	p1 =	por !p1, p0;
	s2 =	sadd.s32 @!p0 $0xFFFFFFA1, s1;
	s1 =	ssub.s32 @!p0 $0x60, s1  }
0x36: {  	s3 =	sand.u32 @!p0 s3, s22;
	p2 =	sgt.s32 @!p0 s2, $0x0;
	s2 =	smov.u32 s22  }
0x37: {  	s0 =	simm.s32 @!p1 $0x0;
	p2 =	por !p2, p0;
	s2 =	simm.s32 @p3 $0xF  }
0x38: {  	s1 =	simm.s32 @!p2 $0x0;
	s2 =	ssub.s32 @!p0 s2, s3;
	s3 =	smin.u32 @!p0 s21, s4  }
0x39: {  	s4 =	sadd.s32 @!p0 $0xFFFFFFF1, s2;
	p2 =	sgt.s32 @!p0 s3, $0x7F;
	s3 =	ssub.s32 @!p0 $0x80, s3  }
0x3a: {  	s0 =	smul.u32 @!p0 s1, s0;
	s1 =	ssub.s32 @!p0 $0x10, s2;
	p1 =	por !p2, p0  }
0x3b: {  	s2 =	sadd.s32 $0x1, s15;
	p2 =	sgt.s32 @!p0 s4, $0x0;
	s3 =	simm.s32 @!p1 $0x0  }
0x3c: {  	s4 =	smov.u32 s19;
	p1 =	por !p2, p0;
	s0 =	smul.u32 @!p0 s3, s0  }
0x3d: {  	s1 =	simm.s32 @!p1 $0x0;
	p1 =	sgt.s32 s2, $0xF;
	s3 =	sadd.s32 $0x80, s19  }
0x3e: {  	s5 =	sadd.s32 $0x2, s17;
	s4 =	smov.u32 @p1 s3;
	s3 =	smov.u32 s16  }
0x3f: {  	s0 =	smul.u32 @!p0 s1, s0;
	p2 =	sgt.s32 s4, $0x5F;
	s1 =	sadd.s32 $0x10, s16  }
0x40: {  	s6 =	smov.u32 s17;
	s24 =	smov.u32 s18;
	s3 =	smov.u32 @p2 s1  }
0x41: {  	s18 =	smov.u32 s17;
	s23 =	smov.u32 s14;
	p3 =	sgt.s32 s3, $0x5F  }
0x42: {  	s14 =	smov.u32 s16;
	s22 =	smov.u32 s12;
	s6 =	smov.u32 @p3 s5  }
0x43: {  	s12 =	smov.u32 s15;
	s2 =	simm.s32 @p1 $0x0;
	p1 =	sgt.s32 s6, $0x1  }
0x44: {  	s21 =	smov.u32 s13;
	s6 =	smov.u32 @p1 s7;
	p1 =	sne.s32 s20, s11  }
.Ltmp1:
0x45: {  	s13 =	smov.u32 s19;
	s15 =	smov.u32 s2;
	(pc) =	sbr.rel @!p1 .LBB1_17-.Ltmp1, $4  }
0x46: {  	s1 =	simm.s32 @!p0 $0x2;
	s4 =	simm.s32 @p2 $0x0;
	s0 =	sand.u32 @!p0 $0x3FFFFFE0, s0  }
0x47: {  	s19 =	smov.u32 s4;
	_ =	swait.ge @!p0 [sflag:s1], s0;
	s3 =	smov.u32 @p3 s10  }
0x48: {  	s0 =	ssub.s32 @!p0 $0x0, s0;
	[sflag:s1] =	ssyncset.done @!p0 $0x0;
	s16 =	smov.u32 s3  }
0x49: {  	s20 =	sadd.s32 $0x1, s20;
	[sflag:s1] =	ssyncadd.s32 @!p0 s0;
	s17 =	smov.u32 s6  }
.LBB1_1:
0x4a: {  	p0 =	sge.u32 s20, s9;
	s0 =	smov.u32 s16;
	s3 =	smov.u32 s17  }
0x4b: {  	s4 =	smov.u32 s15;
	p1 =	sgt.s32 @!p0 s16, $0x5F;
	p2 =	sgt.s32 @!p0 s17, $0x1  }
0x4c: {  	s1 =	sshra.s32 @!p0 s16, $0x1F;
	s2 =	sshra.s32 @!p0 s17, $0x1F;
	p1 =	por !p1, p0  }
0x4d: {  	s1 =	sand.u32 @!p0 s1, s16;
	s2 =	sand.u32 @!p0 s2, s17;
	s0 =	simm.s32 @p1 $0x5F  }
0x4e: {  	p1 =	por !p2, p0;
	p2 =	sgt.s32 @!p0 s19, $0xFFFFFFE0;
	s0 =	ssub.s32 @!p0 s0, s1  }
0x4f: {  	s3 =	simm.s32 @p1 $0x1;
	s1 =	sxor.u32 @!p0 $0xFFFFFFFF, s2;
	p2 =	por !p2, p0  }
0x50: {  	s2 =	sadd.s32 @!p0 $0xFFFFFFA1, s0;
	s1 =	sadd.s32 @!p0 s1, s3;
	s0 =	ssub.s32 @!p0 $0x60, s0  }
0x51: {  	s3 =	sshra.s32 @!p0 s19, $0x1F;
	p1 =	sgt.s32 @!p0 s2, $0x0;
	s2 =	smov.u32 s19  }
0x52: {  	s3 =	sand.u32 @!p0 s3, s19;
	p1 =	por !p1, p0;
	s2 =	simm.s32 @p2 $0xFFFFFFE0  }
0x53: {  	p2 =	sgt.s32 @!p0 s1, $0x0;
	s1 =	sshll.u32 @!p0 s1, $0x7;
	s0 =	simm.s32 @!p1 $0x0  }
0x54: {  	s2 =	ssub.s32 @!p0 s2, s3;
	p1 =	sgt.s32 @!p0 s15, $0xF;
	s1 =	ssub.s32 @!p0 $0x80, s1  }
0x55: {  	p2 =	por !p2, p0;
	s3 =	sadd.s32 @!p0 $0x20, s2;
	p1 =	por !p1, p0  }
0x56: {  	s4 =	simm.s32 @p1 $0xF;
	p1 =	sgt.s32 @!p0 s3, $0x7F;
	s3 =	sshra.s32 @!p0 s15, $0x1F  }
0x57: {  	s2 =	ssub.s32 @!p0 $0x60, s2;
	s1 =	simm.s32 @!p2 $0x0;
	s3 =	sand.u32 @!p0 s3, s15  }
0x58: {  	s0 =	smul.u32 @!p0 s0, s1;
	p1 =	por !p1, p0;
	s3 =	ssub.s32 @!p0 s4, s3  }
0x59: {  	s31 =	sadd.s32 $0xFFFFFFFF, s20;
	s2 =	simm.s32 @!p1 $0x0;
	s1 =	sadd.s32 @!p0 $0xFFFFFFF1, s3  }
0x5a: {  	s4 =	sxor.u32 @!p0 $0xFFFFFFFF, s20;
	s0 =	smul.u32 @!p0 s2, s0;
	p1 =	sgt.s32 @!p0 s1, $0x0  }
0x5b: {  	s2 =	smul.u32 @!p0 $0x240000, s17;
	s1 =	ssub.s32 @!p0 $0x10, s3;
	p1 =	por !p1, p0  }
0x5c: {  	s3 =	sshll.u32 @!p0 s4, $0xE;
	s4 =	smul.u32 @!p0 $0x6000, s16;
	s1 =	simm.s32 @!p1 $0x0  }
0x5d: {  	s5 =	sshll.u32 @!p0 s15, $0x4;
	s0 =	smul.u32 @!p0 s1, s0;
	s1 =	sadd.s32 @!p0 s8, s2  }
0x5e: {  	s3 =	sand.u32 @!p0 $0x4000, s3;
	s2 =	sshll.u32 @!p0 s19, $0x8;
	s1 =	sadd.s32 @!p0 s4, s1  }
0x5f: {  	s4 =	sand.u32 @!p0 $0xF0, s5;
	s0 =	sand.u32 @!p0 $0x3FFFFF80, s0;
	s1 =	sadd.s32 @!p0 s2, s1  }
0x60: {  	s2 =	simm.s32 @!p0 $0x80;
	s1 =	sadd.s32 @!p0 s4, s1;
	s4 =	simm.s32 @!p0 $0x800  }
0x61: {  	[tilespmem:s3], [sflag:$0x1] =	stream.strided.gather @!p0 [hbm4b:s1+s2], s0, s4, s2, $0x38;
	[tilespmem:$0x10100] =	vst v63  }
0x62: {  	p0 =	sge.u32 s31, s9  }
.Ltmp2:
0x63: {  	_ = 	snop;
	(pc) =	sbr.rel @p0 .LBB1_16-.Ltmp2, $1  }
0x64: {  	_ =	sdelay $0x3  }
0x65: {  	[dreg:$0x12] =	wrdreg s24  }
0x66: {  	[dreg:$0x11] =	wrdreg s23  }
0x67: {  	[dreg:$0x10] =	wrdreg s22  }
0x68: {  	[dreg:$0xf] =	wrdreg s21  }
0x69: {  	[dreg:$0xd] =	wrdreg s19  }
0x6a: {  	[dreg:$0xb] =	wrdreg s15;
	p0 =	sgt.s32 s18, $0x1  }
0x6b: {  	s0 =	smov.u32 s18;
	s1 =	sshra.s32 s18, $0x1F;
	s2 =	smov.u32 s14  }
0x6c: {  	s3 =	sshra.s32 s14, $0x1F;
	s11 =	ssub.s32 $0x0, s13;
	s15 =	sshra.s32 s13, $0x1F  }
0x6d: {  	s4 =	smov.u32 s12;
	s5 =	sshra.s32 s12, $0x1F;
	s6 =	smov.u32 s13  }
0x6e: {  	[dreg:$0xc] =	wrdreg s18;
	s0 =	simm.s32 @!p0 $0x1;
	s1 =	sand.u32 s1, s18  }
0x6f: {  	p0 =	sgt.s32 s14, $0x5F;
	s3 =	sand.u32 s3, s14;
	s1 =	sxor.u32 $0xFFFFFFFF, s1  }
0x70: {  	s5 =	sand.u32 s5, s12;
	s2 =	simm.s32 @!p0 $0x5F;
	s0 =	sadd.s32 s1, s0  }
0x71: {  	s10 =	ssub.s32 s2, s3;
	s3 =	sand.u32 s11, s15;
	p0 =	sgt.s32 s0, $0x0  }
0x72: {  	s2 =	sadd.s32 $0xFFFFFFA1, s10;
	s0 =	ssub.s32 $0x1, s0;
	s1 =	ssub.s32 $0x60, s10  }
0x73: {  	[dreg:$0x15] =	wrdreg s3;
	p1 =	sgt.s32 s2, $0x0;
	s0 =	simm.s32 @p0 $0x0  }
0x74: {  	p0 =	sgt.s32 s12, $0xF;
	s1 =	simm.s32 @p1 $0x0;
	p1 =	sgt.s32 s13, $0xFFFFFFE0  }
0x75: {  	s2 =	sadd.s32 $0x1, s18;
	s4 =	simm.s32 @!p0 $0xF;
	s6 =	simm.s32 @!p1 $0xFFFFFFE0  }
0x76: {  	s19 =	ssub.s32 s4, s5;
	s21 =	smul.u32 s0, s1;
	s22 =	sadd.s32 s3, s6  }
0x77: {  	s23 =	sadd.s32 $0xFFFFFFF1, s19;
	s1 =	ssub.s32 $0x10, s19;
	s3 =	sadd.s32 $0x20, s22  }
0x78: {  	p0 =	sgt.s32 s23, $0x0;
	s0 =	ssub.s32 $0x60, s22;
	p1 =	sgt.s32 s3, $0x7F  }
0x79: {  	s1 =	simm.s32 @p0 $0x0;
	p0 =	slt.s32 s2, $0x2;
	s3 =	sadd.s32 $0x1, s14  }
0x7a: {  	[dreg:$0x14] =	wrdreg s1;
	s1 =	smul.u32 s21, s1;
	s2 =	simm.s32 @!p0 $0x2  }
0x7b: {  	s0 =	simm.s32 @p1 $0x0;
	p0 =	slt.s32 s3, $0x60;
	s27 =	ssub.s32 s2, s18  }
0x7c: {  	s3 =	simm.s32 @!p0 $0x60;
	s0 =	smul.u32 s0, s1;
	s1 =	sadd.s32 $0x80, s13  }
0x7d: {  	s28 =	ssub.s32 s3, s14;
	p0 =	slt.s32 s27, $0x1;
	p1 =	slt.s32 s1, $0x60  }
0x7e: {  	s2 =	sadd.s32 $0x1, s12;
	s1 =	simm.s32 @!p1 $0x60;
	p1 =	slt.s32 @!p0 s28, $0x1  }
0x7f: {  	p2 =	slt.s32 s2, $0x10;
	s29 =	ssub.s32 s1, s13;
	p1 =	por p0, p1  }
0x80: {  	[dreg:$0xa] =	wrdreg s14;
	s2 =	simm.s32 @!p2 $0x10;
	p2 =	slt.s32 @!p1 s29, $0x1  }
0x81: {  	[dreg:$0x9] =	wrdreg s13;
	s30 =	ssub.s32 s2, s12;
	p1 =	por p1, p2  }
0x82: {  	[dreg:$0x8] =	wrdreg s12;
	p2 =	slt.s32 @!p1 s30, $0x1  }
0x83: {  	[dreg:$0xe] =	wrdreg s20;
	p1 =	por p1, p2  }
.Ltmp3:
0x84: {  	s25 =	simm.s32 $0x1;
	s0 =	sshll.u32 s0, $0x7;
	(pc) =	sbr.rel @p1 .LBB1_15-.Ltmp3, $4  }
0x85: {  	[dreg:$0x13] =	wrdreg s21;
	s24 =	sand.u32 $0x3FFFFF80, s0;
	s0 =	sand.u32 $0x1, s20  }
0x86: {  	_ =	swait.ge [sflag:s25], s24;
	s31 =	smul.u32 $0x4080, s0  }
0x87: {  	s1 =	ssub.s32 $0x0, s24;
	[sflag:s25] =	ssyncset.done $0x0  }
0x88: {  	[sflag:s25] =	ssyncadd.s32 s1;
	[dreg:$0x16] =	wrdreg s31  }
.Ltmp4:
0x89: {  	(pc) =	sbr.rel .LBB1_4-.Ltmp4, $3  }
0x8a: {  	_ =	sdelay $0x1  }
0x8b: {  	s31 =	sshll.u32 @!p0 s0, $0xE;
	s0 =	rddreg [dreg:$0x16]  }
0x8c: {  	s1 =	simm.s32 $0x0;
	s0 =	sor.u32 @!p0 $0x8000, s0  }
.LBB1_14:
0x8d: {  	s1 =	sadd.s32 $0x1, s1  }
0x8e: {  	p0 =	sne.s32 s1, s27  }
.Ltmp5:
0x8f: {  	_ = 	snop;
	(pc) =	sbr.rel @!p0 .LBB1_15-.Ltmp5, $1  }
0x90: {  	_ =	sdelay $0x3  }
.LBB1_4:
.Ltmp6:
0x91: {  	(pc) =	sbr.rel .LBB1_5-.Ltmp6, $2  }
0x92: {  	_ =	sdelay $0x2  }
0x93: {  	s2 =	simm.s32 $0x0  }
.LBB1_13:
0x94: {  	s2 =	sadd.s32 $0x1, s2  }
0x95: {  	p0 =	sne.s32 s2, s28  }
.Ltmp7:
0x96: {  	_ = 	snop;
	(pc) =	sbr.rel @!p0 .LBB1_14-.Ltmp7, $1  }
0x97: {  	_ =	sdelay $0x3  }
.LBB1_5:
0x98: {  	s3 =	sadd.s32 s1, s2  }
0x99: {  	s4 =	smul.u32 $0x10200, s3;
	_ =	sdelay $0x1  }
0x9a: {  	s3 =	sshll.u32 s3, $0x10;
	s4 =	sshra.s32 s4, $0x2  }
0x9b: {  	s23 =	simm.s32 $0x0;
	s3 =	sshra.s32 s3, $0x2;
	s9 =	sadd.s32 s4, s0  }
0x9c: {  	s5 =	sadd.s32 s3, s31;
	s4 =	sadd.s32 $0x810, s9;
	s8 =	sadd.s32 $0x1020, s9  }
0x9d: {  	s3 =	sadd.s32 $0x1830, s9;
	s7 =	sadd.s32 $0x2040, s9;
	s6 =	sadd.s32 $0x2850, s9  }
.LBB1_6:
0x9e: {  	s10 =	sshll.u32 s23, $0x9  }
0x9f: {  	s10 =	sshra.s32 s10, $0x2  }
0xa0: {  	s10 =	sadd.s32 s10, s5  }
0xa1: {  	v0 =	vmov s10;
	_ =	sdelay $0x3  }
0xa2: {  	s22 =	sand.u32 $0x380, s26;
	p1 =	sne.s32 s30, $0x1  }
.Ltmp8:
0xa3: {  	v9 =	vld.idx.msk [tilespmem:v0+s22+$0x0 ss:$0x1], $0xffff;
	(pc) =	sbr.rel @!p1 .LBB1_7-.Ltmp8, $4  }
0xa4: {  	s11 =	sand.u32 $0x7F, s23;
	s13 =	sand.u32 $0x7, s26;
	p0 =	por $0x0, $0x0;
	v11 =	vld.idx.msk [tilespmem:v0+s22+$0x10 ss:$0x1], $0xffff  }
0xa5: {  	s12 =	sadd.s32 s11, s9;
	s19 =	sadd.s32 s11, s8;
	s20 =	sadd.s32 s11, s3;
	v10 =	vld.idx.msk [tilespmem:v0+s22+$0x20 ss:$0x1], $0xffff  }
0xa6: {  	s24 =	sadd.s32 s11, s7;
	s25 =	sadd.s32 s11, s6;
	s18 =	smul.u32 $0x81, s13;
	v8 =	vld.idx.msk [tilespmem:v0+s22+$0x30 ss:$0x1], $0xffff  }
0xa7: {  	s13 =	simm.s32 $0x80;
	s10 =	sadd.s32 s11, s4;
	s11 =	simm.s32 $0x1;
	v7 =	vld.idx.msk [tilespmem:v0+s22+$0x40 ss:$0x1], $0xffff  }
0xa8: {  	_ =	sdelay $0x3  }
0xa9: {  	s14 =	sand.u32 $0x380, s13;
	s21 =	sadd.s32 s18, s12;
	v1 =	vld.idx.msk [tilespmem:v0+s22+$0x50 ss:$0x1], $0xffff;
	p1 =	sne.s32 s30, $0x2  }
.Ltmp9:
0xaa: {  	s15 =	sadd.s32 s18, s10;
	v2 =	vld.idx.msk [tilespmem:v0+s14+$0x0 ss:$0x1], $0xffff;
	[tilespmem:s21+$0x0 ss:$0x81] =	vst.msk $0xffff, v9;
	(pc) =	sbr.rel @!p1 .LBB1_9-.Ltmp9, $4  }
0xab: {  	v3 =	vld.idx.msk [tilespmem:v0+s14+$0x10 ss:$0x1], $0xffff;
	[tilespmem:s15+$0x0 ss:$0x81] =	vst.msk $0xffff, v11;
	s21 =	sadd.s32 s18, s19  }
0xac: {  	s11 =	sand.u32 $0x7, s11;
	v4 =	vld.idx.msk [tilespmem:v0+s14+$0x20 ss:$0x1], $0xffff;
	s15 =	sadd.s32 s18, s20;
	[tilespmem:s21+$0x0 ss:$0x81] =	vst.msk $0xffff, v10  }
0xad: {  	s22 =	simm.s32 $0x2;
	v5 =	vld.idx.msk [tilespmem:v0+s14+$0x30 ss:$0x1], $0xffff;
	s21 =	smul.u32 $0x81, s11;
	[tilespmem:s15+$0x0 ss:$0x81] =	vst.msk $0xffff, v8;
	s15 =	sadd.s32 s18, s24  }
0xae: {  	s13 =	sadd.s32 s18, s25;
	p0 =	por $0x1, $0x1;
	v6 =	vld.idx.msk [tilespmem:v0+s14+$0x40 ss:$0x1], $0xffff;
	s11 =	simm.s32 $0x100;
	[tilespmem:s15+$0x0 ss:$0x81] =	vst.msk $0xffff, v7  }
.LBB1_10:
0xaf: {  	s18 =	sadd.s32 s21, s12;
	[tilespmem:s13+$0x0 ss:$0x81] =	vst.msk $0xffff, v1;
	s13 =	smov.u32 s22;
	s22 =	sadd.s32 $0x1, s22  }
0xb0: {  	v1 =	vld.idx.msk [tilespmem:v0+s14+$0x50 ss:$0x1], $0xffff;
	s14 =	sand.u32 $0x380, s11;
	s15 =	smov.u32 s21;
	p1 =	sne.s32 s30, s22  }
.Ltmp10:
0xb1: {  	[tilespmem:s18+$0x0 ss:$0x81] =	vst.msk $0xffff, v2;
	v2 =	vld.idx.msk [tilespmem:v0+s14+$0x0 ss:$0x1], $0xffff;
	s18 =	sadd.s32 s15, s10;
	(pc) =	sbr.rel @p1 .LBB1_10-.Ltmp10, $4  }
0xb2: {  	[tilespmem:s18+$0x0 ss:$0x81] =	vst.msk $0xffff, v3;
	v3 =	vld.idx.msk [tilespmem:v0+s14+$0x10 ss:$0x1], $0xffff;
	s18 =	sadd.s32 s15, s19  }
0xb3: {  	s13 =	sand.u32 $0x7, s13;
	[tilespmem:s18+$0x0 ss:$0x81] =	vst.msk $0xffff, v4;
	v4 =	vld.idx.msk [tilespmem:v0+s14+$0x20 ss:$0x1], $0xffff;
	s18 =	sadd.s32 s15, s20  }
0xb4: {  	s21 =	smul.u32 $0x81, s13;
	s13 =	sadd.s32 s15, s24;
	[tilespmem:s18+$0x0 ss:$0x81] =	vst.msk $0xffff, v5;
	v5 =	vld.idx.msk [tilespmem:v0+s14+$0x30 ss:$0x1], $0xffff  }
0xb5: {  	s11 =	sadd.s32 $0x80, s11;
	[tilespmem:s13+$0x0 ss:$0x81] =	vst.msk $0xffff, v6;
	v6 =	vld.idx.msk [tilespmem:v0+s14+$0x40 ss:$0x1], $0xffff;
	s13 =	sadd.s32 s15, s25  }
0xb6: {  	_ =	sdelay $0x3  }
0xb7: {  	s18 =	smov.u32 s21;
	s22 =	smov.u32 s14;
	v9 =	vmovc v2;
	v11 =	vmovc v3;
	v10 =	vmov v4;
	v8 =	vmov v5;
	v7 =	vmov v6  }
.LBB1_12:
0xb8: {  	_ =	sdelay $0x2  }
0xb9: {  	s11 =	sadd.s32 s18, s12;
	[tilespmem:s13+$0x0 ss:$0x81] =	vst.msk @p0 $0xffff, v1;
	s23 =	sadd.s32 $0x1, s23  }
0xba: {  	v0 =	vld.idx.msk [tilespmem:v0+s22+$0x50 ss:$0x1], $0xffff;
	s10 =	sadd.s32 s18, s10;
	[tilespmem:s11+$0x0 ss:$0x81] =	vst.msk $0xffff, v9;
	p0 =	sne.s32 s23, s29  }
.Ltmp11:
0xbb: {  	s21 =	sadd.s32 s18, s19;
	[tilespmem:s10+$0x0 ss:$0x81] =	vst.msk $0xffff, v11;
	(pc) =	sbr.rel @p0 .LBB1_6-.Ltmp11, $4  }
.Ltmp12:
0xbc: {  	s22 =	sadd.s32 s18, s20;
	[tilespmem:s21+$0x0 ss:$0x81] =	vst.msk $0xffff, v10;
	(pc) =	sbr.rel @!p0 .LBB1_13-.Ltmp12, $4  }
0xbd: {  	s24 =	sadd.s32 s18, s24;
	[tilespmem:s22+$0x0 ss:$0x81] =	vst.msk $0xffff, v8  }
0xbe: {  	s25 =	sadd.s32 s18, s25;
	[tilespmem:s24+$0x0 ss:$0x81] =	vst.msk $0xffff, v7  }
0xbf: {  	[tilespmem:s25+$0x0 ss:$0x81] =	vst.msk $0xffff, v0  }
0xc0: {  	_ = 	snop  }
.LBB1_7:
.Ltmp13:
0xc1: {  	(pc) =	sbr.rel .LBB1_12-.Ltmp13, $2  }
0xc2: {  	_ =	sdelay $0x2  }
0xc3: {  	_ = 	snop  }
.LBB1_9:
.Ltmp14:
0xc4: {  	_ = 	snop;
	(pc) =	sbr.rel .LBB1_12-.Ltmp14, $2  }
0xc5: {  	_ =	sdelay $0x2  }
0xc6: {  	s18 =	smov.u32 s21;
	s22 =	smov.u32 s14;
	v9 =	vmovc v2;
	v11 =	vmovc v3;
	v10 =	vmov v4;
	v8 =	vmov v5;
	v7 =	vmov v6  }
.LBB1_17:
0xc7: {  	_ =	sfence.sel $0x180000  }
0xc8: {  	s0 =	simm.s32 $0x1;
	[bflag:$0x0] =	sbarrier.arrive $0xFFFF  }
0xc9: {  	s30 =	simm.s32 $0x2;
	[sflag:s0] =	ssyncpa.u1 $0x1  }
0xca: {  	[sflag:s30] =	ssyncpa.u1 $0x1  }
0xcb: {  	_ =	strace $0x9000004A  }
0xcc: {  	s31 =	stileid.u32;
	[bflag:$0x2] =	sbarrier.arrive $0xFFFF  }
0xcd: {  	p0 =	sne.s32 s31, $0x0;
	s0 =	rddreg [dreg:$0x2]  }
0xce: {  	s0 =	sadd.s32 @!p0 $0x100000, s0  }
0xcf: {  	[sflag:s0] =	ssyncadd.tile.s32 @!p0 $0x1;
	_ =	shalt  }
.Lfunc_end1:
_tile_overlayer_lowered:
.L_overlay_start_2:
0xd0: {  	(tag) =	ssettag $0x2  }
0xd1: {  	s0 =	rddreg [dreg:$0x0];
	s2 =	stileid.u32  }
0xd2: {  	s1 =	rddreg [dreg:$0x1];
	p0 =	sne.s32 s2, $0x0  }
0xd3: {  	s3 =	rddreg [dreg:$0x2];
	[bflag:$0x3] =	sbarrier.arrive $0xFFFF;
	s2 =	simm.s32 @!p0 $0x1C01  }
0xd4: {  	[timem:s3], [sflag:s2] =	dma.local @!p0 [hbm:s0], s1  }
0xd5: {  	s0 =	simm.s32 @!p0 $0x1  }
0xd6: {  	_ =	swait.ge @!p0 [sflag:s0], s1  }
0xd7: {  	s1 =	ssub.s32 @!p0 $0x0, s1;
	[sflag:s0] =	ssyncset.done @!p0 $0x0  }
0xd8: {  	[sflag:s0] =	ssyncadd.s32 @!p0 s1  }
0xd9: {  	[bflag:$0x3] =	sbarrier.arrive $0xFFFF  }
0xda: {  	_ =	shalt  }

// kernel: sparse-core-data-format-call.cloned.1.call-start
scs
called_computation_lowered:
.L_overlay_start_0:
0x0: {  	s2 =	sld [smem:$0x3FD9]  }
0x1: {  	s3 =	sld [smem:$0x3FFE];
	_ =	sdelay $0x1  }
0x2: {  	s1 =	srdreg.scid  }
0x3: {  	s0 =	sand.u32 $0x1, s1  }
0x4: {  	s15 =	sshll.u32 s0, $0xA;
	s2 =	sadd.s32 s3, s2  }
0x5: {  	s2 =	sadd.s32 s2, s15  }
0x6: {  	[smem:$0x3FC6] =	sst s2  }
0x7: {  	_ = 	snop  }
0x8: {  	s2 =	sld [smem:$0x3FD0];
	_ =	sdelay $0x2  }
0x9: {  	s16 =	simm.s32 $0xB;
	s4 =	simm.s32 $0x10  }
0xa: {  	[smem:s4], [sflag:s16] =	dma.local [hbm:s2], $0x1  }
0xb: {  	_ =	swait.eq [sflag:s16], $0x1  }
0xc: {  	[sflag:s16] =	ssyncset.done $0x0  }
0xd: {  	[sflag:s16] =	ssyncadd.s32 $0xFFFFFFFF  }
0xe: {  	s17 =	sld [smem:$0x11];
	(tm) =	ssettm $0x1  }
0xf: {  	s18 =	sld [smem:$0x3FFB];
	_ =	sdelay $0x3  }
0x10: {  	_ =	strace s18  }
0x11: {  	s3 =	sld [smem:$0x3FFC];
	_ =	sdelay $0x3  }
0x12: {  	_ =	strace s3  }
0x13: {  	s3 =	sld [smem:$0x3FFD];
	_ =	sdelay $0x3  }
0x14: {  	_ =	strace s3  }
0x15: {  	_ =	strace $0x8FFFFFFF  }
0x16: {  	s19 =	sld [smem:$0x3FDB];
	_ =	sdelay $0x1  }
0x17: {  	s20 =	simm.s32 $_scs_section_size  }
0x18: {  	s5 =	simm.s32 $_size__tile_overlayer_lowered;
	s6 =	simm.s32 $_tile_overlayer_lowered  }
0x19: {  	s23 =	simm.s32 $0x1BFF;
	s22 =	sshll.u32 s6, $0x1;
	s3 =	sadd.s32 s20, s19  }
0x1a: {  	s7 =	simm.s32 $0x0;
	s21 =	sshll.u32 s5, $0x1;
	s5 =	sadd.s32 s22, s3  }
0x1b: {  	[timem:s7], [sflag:s23] =	dma.local [hbm:s5], s21  }
0x1c: {  	_ =	swait.ge [sflag:s23], s21  }
0x1d: {  	s4 =	ssub.s32 $0x0, s21;
	[sflag:s23] =	ssyncset.done $0x0  }
0x1e: {  	[sflag:s23] =	ssyncadd.s32 s4;
	_ =	sdelay $0x1  }
0x1f: {  	s24 =	simm.s32 $0x1B8B  }
0x20: {  	_ =	swait.ge [sflag:s24], $0x1  }
0x21: {  	[sflag:s24] =	ssyncset.done $0x0  }
0x22: {  	s26 =	simm.s32 $0x1B8E;
	s25 =	sld [smem:$0x3FFE];
	[sflag:s24] =	ssyncadd.s32 $0xFFFFFFFF  }
0x23: {  	s27 =	simm.s32 $execute0_lowered;
	[smem:$0x3FD2] =	sst s26  }
0x24: {  	s5 =	sshll.u32 s27, $0x1;
	_ =	strace $0x80000046;
	[dreg:$0x1] =	wrdreg $0xFFFFFFFF  }
0x25: {  	s28 =	simm.s32 $_size_execute0_lowered;
	s3 =	sadd.s32 s3, s5;
	[dreg:$0x0] =	wrdreg $0x0  }
0x26: {  	s5 =	sshll.u32 s28, $0x1;
	[dreg:$0x2] =	wrdreg s3  }
0x27: {  	[dreg:$0x3] =	wrdreg s5  }
0x28: {  	[dreg:$0x4] =	wrdreg $0xC0  }
0x29: {  	_ =	task [dreg:s7], $0x5FFFF  }
0x2a: {  	[dreg:$0x1] =	wrdreg $0xFFFFFFFF  }
0x2b: {  	[dreg:$0x0] =	wrdreg $0x60  }
0x2c: {  	[dreg:$0x2] =	wrdreg s25  }
0x2d: {  	[dreg:$0x3] =	wrdreg s17  }
0x2e: {  	[dreg:$0x4] =	wrdreg $0x9  }
0x2f: {  	_ =	task.clear_ibuf [dreg:s7], $0x5FFFF;
	_ =	strace $0x90000046  }
0x30: {  	s29 =	simm.s32 $0x9;
	_ =	strace $0x80000048  }
0x31: {  	_ =	swait.ge [sflag:s29], $0x1  }
0x32: {  	[sflag:s29] =	ssyncadd.s32 $0xFFFFFFFF  }
0x33: {  	_ =	strace $0x90000048  }
0x34: {  	_ =	sfence  }
0x35: {  	s30 =	sld [smem:$0x0];
	_ =	sdelay $0x2  }
0x36: {  	s31 =	sshll.u32 s1, $0xD;
	s1 =	sshrl.u32 s1, $0x2  }
0x37: {  	s3 =	sand.u32 $0x4000, s31;
	s1 =	sadd.s32 s1, s30  }
0x38: {  	s0 =	sor.u32 s3, s0;
	s1 =	sshll.u32 s1, $0x11  }
0x39: {  	s0 =	sor.u32 s1, s0  }
0x3a: {  	s0 =	sadd.s32 $0x8F2B, s0  }
0x3b: {  	[sflag:s0] =	ssyncadd.remote.s32 $0x1  }
0x3c: {  	_ =	sfence.sel $0xFFFF  }
0x3d: {  	[dreg:$0x0] =	wrdreg $0xFFFFFFFF;
	(pc) =	sbr.abs _section_cstart, $3  }
0x3e: {  	[dreg:$0x1] =	wrdreg $0xFFFFFFFF  }
0x3f: {  	_ =	task.clear_ibuf [dreg:s7], $0x2FFFF;
	_ =	strace $0x9FFFFFFF  }
0x40: {  	(tm) =	ssettm $0x7FFFFFFF  }
0x41: {  	_ =	shalt  }
tec
execute0_lowered:
.L_overlay_start_1:
0x0: {  	(tag) =	ssettag $0x1  }
0x1: {  	s0 =	rddreg [dreg:$0x0]  }
0x2: {  	s4 =	stileid.u32;
	_ =	strace $0x80000047;
	s2 =	srdreg.scid  }
0x3: {  	s30 =	simm.s32 $0x1;
	s31 =	simm.s32 $0x2;
	s22 =	simm.s32 $0x0  }
0x4: {  	s21 =	simm.s32 $0x0;
	s23 =	simm.s32 $0x0;
	s24 =	simm.s32 $0x0  }
0x5: {  	s12 =	simm.s32 $0x0;
	s13 =	simm.s32 $0x0;
	s14 =	simm.s32 $0x0  }
0x6: {  	s18 =	simm.s32 $0x0;
	s15 =	simm.s32 $0x0;
	s19 =	simm.s32 $0x0  }
0x7: {  	s20 =	simm.s32 $0x0;
	s7 =	sand.u32 $0x1, s4;
	s29 =	sshll.u32 s2, $0x4  }
0x8: {  	s8 =	sadd.s32 $0x360E00, s0;
	s1 =	ssub.s32 $0x2, s7;
	s0 =	sand.u32 $0x10, s29  }
0x9: {  	[dreg:$0x3] =	wrdreg s7;
	s3 =	sshrl.u32 s1, $0x1;
	s1 =	sand.u32 $0x1, s1  }
.Ltmp0:
0xa: {  	s0 =	sor.u32 s4, s0;
	s1 =	sadd.s32 s1, s3;
	(pc) =	sbr.rel .LBB1_1-.Ltmp0, $4  }
0xb: {  	[dreg:$0x4] =	wrdreg s8;
	s10 =	sshrl.u32 s0, $0x1;
	s9 =	smul.u32 $0x60, s1  }
0xc: {  	s26 =	simm.s32 $0x0;
	[sflag:s30] =	ssyncpa.u1 $0x0;
	[dreg:$0x6] =	wrdreg s10  }
0xd: {  	[sflag:s31] =	ssyncpa.u1 $0x0;
	s11 =	sor.u32 $0x1, s9;
	[dreg:$0x5] =	wrdreg s9  }
0xe: {  	s17 =	smov.u32 s7;
	s16 =	smov.u32 s10;
	[dreg:$0x7] =	wrdreg s11  }
.LBB1_15:
0xf: {  	s13 =	rddreg [dreg:$0x9]  }
0x10: {  	s1 =	rddreg [dreg:$0x15]  }
0x11: {  	s12 =	rddreg [dreg:$0x8]  }
0x12: {  	s4 =	rddreg [dreg:$0x13]  }
0x13: {  	s23 =	rddreg [dreg:$0x14]  }
0x14: {  	s18 =	rddreg [dreg:$0xc]  }
0x15: {  	s14 =	rddreg [dreg:$0xa]  }
0x16: {  	s5 =	rddreg [dreg:$0x1]  }
0x17: {  	s29 =	rddreg [dreg:$0x16]  }
0x18: {  	s7 =	rddreg [dreg:$0x3]  }
0x19: {  	s8 =	rddreg [dreg:$0x4]  }
0x1a: {  	s9 =	rddreg [dreg:$0x5]  }
0x1b: {  	s10 =	rddreg [dreg:$0x6]  }
0x1c: {  	s11 =	rddreg [dreg:$0x7]  }
0x1d: {  	s15 =	rddreg [dreg:$0xb]  }
0x1e: {  	s19 =	rddreg [dreg:$0xd]  }
0x1f: {  	s31 =	simm.s32 $0x800;
	s20 =	rddreg [dreg:$0xe]  }
0x20: {  	s21 =	rddreg [dreg:$0xf];
	p0 =	sgt.s32 s13, $0x0;
	s0 =	smov.u32 s13  }
0x21: {  	s22 =	sshll.u32 s12, $0x7;
	s24 =	smul.u32 $0x240000, s18;
	s0 =	simm.s32 @!p0 $0x0  }
0x22: {  	s2 =	sshll.u32 s13, $0x3;
	s25 =	smul.u32 $0x6000, s14;
	s0 =	sadd.s32 s0, s1  }
0x23: {  	s27 =	sshrl.u32 s13, $0x3;
	p0 =	sgt.s32 s0, $0x7F;
	s0 =	ssub.s32 $0x80, s0  }
0x24: {  	s3 =	sand.u32 $0x400, s22;
	s2 =	sand.u32 $0x400, s2;
	s0 =	simm.s32 @p0 $0x0  }
0x25: {  	s28 =	sand.u32 $0x7, s13;
	s2 =	sadd.s32 s2, s3;
	s0 =	smul.u32 s0, s4  }
0x26: {  	s1 =	sand.u32 $0x380, s22;
	s3 =	sshll.u32 s28, $0x12;
	s22 =	rddreg [dreg:$0x10]  }
0x27: {  	s1 =	sor.u32 s1, s2;
	s2 =	sadd.s32 s5, s24;
	s0 =	smul.u32 s23, s0  }
0x28: {  	s30 =	sor.u32 $0x80, s3;
	s24 =	rddreg [dreg:$0x12];
	s1 =	sshrl.u32 s1, $0x3  }
0x29: {  	s2 =	sadd.s32 s25, s2;
	s4 =	sand.u32 $0xF, s27;
	s0 =	smul.u32 $0x60, s0  }
0x2a: {  	s1 =	sand.u32 $0xF0, s1;
	s2 =	sadd.s32 s4, s2;
	s4 =	sor.u32 $0x8000, s29  }
0x2b: {  	s1 =	sadd.s32 s1, s2;
	s23 =	rddreg [dreg:$0x11];
	s0 =	sand.u32 $0x3FFFFFE0, s0  }
0x2c: {  	[hbm4b:s1+s30] =	stream.strided.scatter [tilespmem:s4], [sflag:$0x2], s0, s31, s30, $0x20;
	[tilespmem:$0x10100] =	vst v63  }
.LBB1_16:
0x2d: {  	p0 =	slt.u32 s20, $0x2;
	s0 =	smov.u32 s24  }
0x2e: {  	s2 =	smov.u32 s23;
	p1 =	sgt.s32 @!p0 s24, $0x1;
	s1 =	sshra.s32 @!p0 s24, $0x1F  }
0x2f: {  	s3 =	sshra.s32 @!p0 s23, $0x1F;
	p3 =	sgt.s32 @!p0 s22, $0xF;
	s4 =	ssub.s32 @!p0 $0x0, s21  }
0x30: {  	p1 =	por !p1, p0;
	s1 =	sand.u32 @!p0 s1, s24;
	s3 =	sand.u32 @!p0 s3, s23  }
0x31: {  	s0 =	simm.s32 @p1 $0x1;
	p1 =	sgt.s32 @!p0 s23, $0x5F;
	s1 =	sxor.u32 @!p0 $0xFFFFFFFF, s1  }
0x32: {  	p3 =	por !p3, p0;
	p1 =	por !p1, p0;
	s0 =	sadd.s32 @!p0 s1, s0  }
0x33: {  	s2 =	simm.s32 @p1 $0x5F;
	p1 =	sgt.s32 @!p0 s0, $0x0;
	s0 =	ssub.s32 @!p0 $0x1, s0  }
0x34: {  	s1 =	ssub.s32 @!p0 s2, s3;
	s3 =	sshra.s32 @!p0 s22, $0x1F;
	s0 =	smul.u32 @!p0 $0x60, s0  }
0x35: {  	p1 =	por !p1, p0;
	s2 =	sadd.s32 @!p0 $0xFFFFFFA1, s1;
	s1 =	ssub.s32 @!p0 $0x60, s1  }
0x36: {  	s3 =	sand.u32 @!p0 s3, s22;
	p2 =	sgt.s32 @!p0 s2, $0x0;
	s2 =	smov.u32 s22  }
0x37: {  	s0 =	simm.s32 @!p1 $0x0;
	p2 =	por !p2, p0;
	s2 =	simm.s32 @p3 $0xF  }
0x38: {  	s1 =	simm.s32 @!p2 $0x0;
	s2 =	ssub.s32 @!p0 s2, s3;
	s3 =	smin.u32 @!p0 s21, s4  }
0x39: {  	s4 =	sadd.s32 @!p0 $0xFFFFFFF1, s2;
	p2 =	sgt.s32 @!p0 s3, $0x7F;
	s3 =	ssub.s32 @!p0 $0x80, s3  }
0x3a: {  	s0 =	smul.u32 @!p0 s1, s0;
	s1 =	ssub.s32 @!p0 $0x10, s2;
	p1 =	por !p2, p0  }
0x3b: {  	s2 =	sadd.s32 $0x1, s15;
	p2 =	sgt.s32 @!p0 s4, $0x0;
	s3 =	simm.s32 @!p1 $0x0  }
0x3c: {  	s4 =	smov.u32 s19;
	p1 =	por !p2, p0;
	s0 =	smul.u32 @!p0 s3, s0  }
0x3d: {  	s1 =	simm.s32 @!p1 $0x0;
	p1 =	sgt.s32 s2, $0xF;
	s3 =	sadd.s32 $0x80, s19  }
0x3e: {  	s5 =	sadd.s32 $0x2, s17;
	s4 =	smov.u32 @p1 s3;
	s3 =	smov.u32 s16  }
0x3f: {  	s0 =	smul.u32 @!p0 s1, s0;
	p2 =	sgt.s32 s4, $0x5F;
	s1 =	sadd.s32 $0x10, s16  }
0x40: {  	s6 =	smov.u32 s17;
	s24 =	smov.u32 s18;
	s3 =	smov.u32 @p2 s1  }
0x41: {  	s18 =	smov.u32 s17;
	s23 =	smov.u32 s14;
	p3 =	sgt.s32 s3, $0x5F  }
0x42: {  	s14 =	smov.u32 s16;
	s22 =	smov.u32 s12;
	s6 =	smov.u32 @p3 s5  }
0x43: {  	s12 =	smov.u32 s15;
	s2 =	simm.s32 @p1 $0x0;
	p1 =	sgt.s32 s6, $0x1  }
0x44: {  	s21 =	smov.u32 s13;
	s6 =	smov.u32 @p1 s7;
	p1 =	sne.s32 s20, s11  }
.Ltmp1:
0x45: {  	s13 =	smov.u32 s19;
	s15 =	smov.u32 s2;
	(pc) =	sbr.rel @!p1 .LBB1_17-.Ltmp1, $4  }
0x46: {  	s1 =	simm.s32 @!p0 $0x2;
	s4 =	simm.s32 @p2 $0x0;
	s0 =	sand.u32 @!p0 $0x3FFFFFE0, s0  }
0x47: {  	s19 =	smov.u32 s4;
	_ =	swait.ge @!p0 [sflag:s1], s0;
	s3 =	smov.u32 @p3 s10  }
0x48: {  	s0 =	ssub.s32 @!p0 $0x0, s0;
	[sflag:s1] =	ssyncset.done @!p0 $0x0;
	s16 =	smov.u32 s3  }
0x49: {  	s20 =	sadd.s32 $0x1, s20;
	[sflag:s1] =	ssyncadd.s32 @!p0 s0;
	s17 =	smov.u32 s6  }
.LBB1_1:
0x4a: {  	p0 =	sge.u32 s20, s9;
	s0 =	smov.u32 s16;
	s3 =	smov.u32 s17  }
0x4b: {  	s4 =	smov.u32 s15;
	p1 =	sgt.s32 @!p0 s16, $0x5F;
	p2 =	sgt.s32 @!p0 s17, $0x1  }
0x4c: {  	s1 =	sshra.s32 @!p0 s16, $0x1F;
	s2 =	sshra.s32 @!p0 s17, $0x1F;
	p1 =	por !p1, p0  }
0x4d: {  	s1 =	sand.u32 @!p0 s1, s16;
	s2 =	sand.u32 @!p0 s2, s17;
	s0 =	simm.s32 @p1 $0x5F  }
0x4e: {  	p1 =	por !p2, p0;
	p2 =	sgt.s32 @!p0 s19, $0xFFFFFFE0;
	s0 =	ssub.s32 @!p0 s0, s1  }
0x4f: {  	s3 =	simm.s32 @p1 $0x1;
	s1 =	sxor.u32 @!p0 $0xFFFFFFFF, s2;
	p2 =	por !p2, p0  }
0x50: {  	s2 =	sadd.s32 @!p0 $0xFFFFFFA1, s0;
	s1 =	sadd.s32 @!p0 s1, s3;
	s0 =	ssub.s32 @!p0 $0x60, s0  }
0x51: {  	s3 =	sshra.s32 @!p0 s19, $0x1F;
	p1 =	sgt.s32 @!p0 s2, $0x0;
	s2 =	smov.u32 s19  }
0x52: {  	s3 =	sand.u32 @!p0 s3, s19;
	p1 =	por !p1, p0;
	s2 =	simm.s32 @p2 $0xFFFFFFE0  }
0x53: {  	p2 =	sgt.s32 @!p0 s1, $0x0;
	s1 =	sshll.u32 @!p0 s1, $0x7;
	s0 =	simm.s32 @!p1 $0x0  }
0x54: {  	s2 =	ssub.s32 @!p0 s2, s3;
	p1 =	sgt.s32 @!p0 s15, $0xF;
	s1 =	ssub.s32 @!p0 $0x80, s1  }
0x55: {  	p2 =	por !p2, p0;
	s3 =	sadd.s32 @!p0 $0x20, s2;
	p1 =	por !p1, p0  }
0x56: {  	s4 =	simm.s32 @p1 $0xF;
	p1 =	sgt.s32 @!p0 s3, $0x7F;
	s3 =	sshra.s32 @!p0 s15, $0x1F  }
0x57: {  	s2 =	ssub.s32 @!p0 $0x60, s2;
	s1 =	simm.s32 @!p2 $0x0;
	s3 =	sand.u32 @!p0 s3, s15  }
0x58: {  	s0 =	smul.u32 @!p0 s0, s1;
	p1 =	por !p1, p0;
	s3 =	ssub.s32 @!p0 s4, s3  }
0x59: {  	s31 =	sadd.s32 $0xFFFFFFFF, s20;
	s2 =	simm.s32 @!p1 $0x0;
	s1 =	sadd.s32 @!p0 $0xFFFFFFF1, s3  }
0x5a: {  	s4 =	sxor.u32 @!p0 $0xFFFFFFFF, s20;
	s0 =	smul.u32 @!p0 s2, s0;
	p1 =	sgt.s32 @!p0 s1, $0x0  }
0x5b: {  	s2 =	smul.u32 @!p0 $0x240000, s17;
	s1 =	ssub.s32 @!p0 $0x10, s3;
	p1 =	por !p1, p0  }
0x5c: {  	s3 =	sshll.u32 @!p0 s4, $0xE;
	s4 =	smul.u32 @!p0 $0x6000, s16;
	s1 =	simm.s32 @!p1 $0x0  }
0x5d: {  	s5 =	sshll.u32 @!p0 s15, $0x4;
	s0 =	smul.u32 @!p0 s1, s0;
	s1 =	sadd.s32 @!p0 s8, s2  }
0x5e: {  	s3 =	sand.u32 @!p0 $0x4000, s3;
	s2 =	sshll.u32 @!p0 s19, $0x8;
	s1 =	sadd.s32 @!p0 s4, s1  }
0x5f: {  	s4 =	sand.u32 @!p0 $0xF0, s5;
	s0 =	sand.u32 @!p0 $0x3FFFFF80, s0;
	s1 =	sadd.s32 @!p0 s2, s1  }
0x60: {  	s2 =	simm.s32 @!p0 $0x80;
	s1 =	sadd.s32 @!p0 s4, s1;
	s4 =	simm.s32 @!p0 $0x800  }
0x61: {  	[tilespmem:s3], [sflag:$0x1] =	stream.strided.gather @!p0 [hbm4b:s1+s2], s0, s4, s2, $0x38;
	[tilespmem:$0x10100] =	vst v63  }
0x62: {  	p0 =	sge.u32 s31, s9  }
.Ltmp2:
0x63: {  	_ = 	snop;
	(pc) =	sbr.rel @p0 .LBB1_16-.Ltmp2, $1  }
0x64: {  	_ =	sdelay $0x3  }
0x65: {  	[dreg:$0x12] =	wrdreg s24  }
0x66: {  	[dreg:$0x11] =	wrdreg s23  }
0x67: {  	[dreg:$0x10] =	wrdreg s22  }
0x68: {  	[dreg:$0xf] =	wrdreg s21  }
0x69: {  	[dreg:$0xd] =	wrdreg s19  }
0x6a: {  	[dreg:$0xb] =	wrdreg s15;
	p0 =	sgt.s32 s18, $0x1  }
0x6b: {  	s0 =	smov.u32 s18;
	s1 =	sshra.s32 s18, $0x1F;
	s2 =	smov.u32 s14  }
0x6c: {  	s3 =	sshra.s32 s14, $0x1F;
	s11 =	ssub.s32 $0x0, s13;
	s15 =	sshra.s32 s13, $0x1F  }
0x6d: {  	s4 =	smov.u32 s12;
	s5 =	sshra.s32 s12, $0x1F;
	s6 =	smov.u32 s13  }
0x6e: {  	[dreg:$0xc] =	wrdreg s18;
	s0 =	simm.s32 @!p0 $0x1;
	s1 =	sand.u32 s1, s18  }
0x6f: {  	p0 =	sgt.s32 s14, $0x5F;
	s3 =	sand.u32 s3, s14;
	s1 =	sxor.u32 $0xFFFFFFFF, s1  }
0x70: {  	s5 =	sand.u32 s5, s12;
	s2 =	simm.s32 @!p0 $0x5F;
	s0 =	sadd.s32 s1, s0  }
0x71: {  	s10 =	ssub.s32 s2, s3;
	s3 =	sand.u32 s11, s15;
	p0 =	sgt.s32 s0, $0x0  }
0x72: {  	s2 =	sadd.s32 $0xFFFFFFA1, s10;
	s0 =	ssub.s32 $0x1, s0;
	s1 =	ssub.s32 $0x60, s10  }
0x73: {  	[dreg:$0x15] =	wrdreg s3;
	p1 =	sgt.s32 s2, $0x0;
	s0 =	simm.s32 @p0 $0x0  }
0x74: {  	p0 =	sgt.s32 s12, $0xF;
	s1 =	simm.s32 @p1 $0x0;
	p1 =	sgt.s32 s13, $0xFFFFFFE0  }
0x75: {  	s2 =	sadd.s32 $0x1, s18;
	s4 =	simm.s32 @!p0 $0xF;
	s6 =	simm.s32 @!p1 $0xFFFFFFE0  }
0x76: {  	s19 =	ssub.s32 s4, s5;
	s21 =	smul.u32 s0, s1;
	s22 =	sadd.s32 s3, s6  }
0x77: {  	s23 =	sadd.s32 $0xFFFFFFF1, s19;
	s1 =	ssub.s32 $0x10, s19;
	s3 =	sadd.s32 $0x20, s22  }
0x78: {  	p0 =	sgt.s32 s23, $0x0;
	s0 =	ssub.s32 $0x60, s22;
	p1 =	sgt.s32 s3, $0x7F  }
0x79: {  	s1 =	simm.s32 @p0 $0x0;
	p0 =	slt.s32 s2, $0x2;
	s3 =	sadd.s32 $0x1, s14  }
0x7a: {  	[dreg:$0x14] =	wrdreg s1;
	s1 =	smul.u32 s21, s1;
	s2 =	simm.s32 @!p0 $0x2  }
0x7b: {  	s0 =	simm.s32 @p1 $0x0;
	p0 =	slt.s32 s3, $0x60;
	s27 =	ssub.s32 s2, s18  }
0x7c: {  	s3 =	simm.s32 @!p0 $0x60;
	s0 =	smul.u32 s0, s1;
	s1 =	sadd.s32 $0x80, s13  }
0x7d: {  	s28 =	ssub.s32 s3, s14;
	p0 =	slt.s32 s27, $0x1;
	p1 =	slt.s32 s1, $0x60  }
0x7e: {  	s2 =	sadd.s32 $0x1, s12;
	s1 =	simm.s32 @!p1 $0x60;
	p1 =	slt.s32 @!p0 s28, $0x1  }
0x7f: {  	p2 =	slt.s32 s2, $0x10;
	s29 =	ssub.s32 s1, s13;
	p1 =	por p0, p1  }
0x80: {  	[dreg:$0xa] =	wrdreg s14;
	s2 =	simm.s32 @!p2 $0x10;
	p2 =	slt.s32 @!p1 s29, $0x1  }
0x81: {  	[dreg:$0x9] =	wrdreg s13;
	s30 =	ssub.s32 s2, s12;
	p1 =	por p1, p2  }
0x82: {  	[dreg:$0x8] =	wrdreg s12;
	p2 =	slt.s32 @!p1 s30, $0x1  }
0x83: {  	[dreg:$0xe] =	wrdreg s20;
	p1 =	por p1, p2  }
.Ltmp3:
0x84: {  	s25 =	simm.s32 $0x1;
	s0 =	sshll.u32 s0, $0x7;
	(pc) =	sbr.rel @p1 .LBB1_15-.Ltmp3, $4  }
0x85: {  	[dreg:$0x13] =	wrdreg s21;
	s24 =	sand.u32 $0x3FFFFF80, s0;
	s0 =	sand.u32 $0x1, s20  }
0x86: {  	_ =	swait.ge [sflag:s25], s24;
	s31 =	smul.u32 $0x4080, s0  }
0x87: {  	s1 =	ssub.s32 $0x0, s24;
	[sflag:s25] =	ssyncset.done $0x0  }
0x88: {  	[sflag:s25] =	ssyncadd.s32 s1;
	[dreg:$0x16] =	wrdreg s31  }
.Ltmp4:
0x89: {  	(pc) =	sbr.rel .LBB1_4-.Ltmp4, $3  }
0x8a: {  	_ =	sdelay $0x1  }
0x8b: {  	s31 =	sshll.u32 @!p0 s0, $0xE;
	s0 =	rddreg [dreg:$0x16]  }
0x8c: {  	s1 =	simm.s32 $0x0;
	s0 =	sor.u32 @!p0 $0x8000, s0  }
.LBB1_14:
0x8d: {  	s1 =	sadd.s32 $0x1, s1  }
0x8e: {  	p0 =	sne.s32 s1, s27  }
.Ltmp5:
0x8f: {  	_ = 	snop;
	(pc) =	sbr.rel @!p0 .LBB1_15-.Ltmp5, $1  }
0x90: {  	_ =	sdelay $0x3  }
.LBB1_4:
.Ltmp6:
0x91: {  	(pc) =	sbr.rel .LBB1_5-.Ltmp6, $2  }
0x92: {  	_ =	sdelay $0x2  }
0x93: {  	s2 =	simm.s32 $0x0  }
.LBB1_13:
0x94: {  	s2 =	sadd.s32 $0x1, s2  }
0x95: {  	p0 =	sne.s32 s2, s28  }
.Ltmp7:
0x96: {  	_ = 	snop;
	(pc) =	sbr.rel @!p0 .LBB1_14-.Ltmp7, $1  }
0x97: {  	_ =	sdelay $0x3  }
.LBB1_5:
0x98: {  	s3 =	sadd.s32 s1, s2  }
0x99: {  	s4 =	smul.u32 $0x10200, s3;
	_ =	sdelay $0x1  }
0x9a: {  	s3 =	sshll.u32 s3, $0x10;
	s4 =	sshra.s32 s4, $0x2  }
0x9b: {  	s23 =	simm.s32 $0x0;
	s3 =	sshra.s32 s3, $0x2;
	s9 =	sadd.s32 s4, s0  }
0x9c: {  	s5 =	sadd.s32 s3, s31;
	s4 =	sadd.s32 $0x810, s9;
	s8 =	sadd.s32 $0x1020, s9  }
0x9d: {  	s3 =	sadd.s32 $0x1830, s9;
	s7 =	sadd.s32 $0x2040, s9;
	s6 =	sadd.s32 $0x2850, s9  }
.LBB1_6:
0x9e: {  	s10 =	sshll.u32 s23, $0x9  }
0x9f: {  	s10 =	sshra.s32 s10, $0x2  }
0xa0: {  	s10 =	sadd.s32 s10, s5  }
0xa1: {  	v0 =	vmov s10;
	_ =	sdelay $0x3  }
0xa2: {  	s22 =	sand.u32 $0x380, s26;
	p1 =	sne.s32 s30, $0x1  }
.Ltmp8:
0xa3: {  	v9 =	vld.idx.msk [tilespmem:v0+s22+$0x0 ss:$0x1], $0xffff;
	(pc) =	sbr.rel @!p1 .LBB1_7-.Ltmp8, $4  }
0xa4: {  	s11 =	sand.u32 $0x7F, s23;
	s13 =	sand.u32 $0x7, s26;
	p0 =	por $0x0, $0x0;
	v11 =	vld.idx.msk [tilespmem:v0+s22+$0x10 ss:$0x1], $0xffff  }
0xa5: {  	s12 =	sadd.s32 s11, s9;
	s19 =	sadd.s32 s11, s8;
	s20 =	sadd.s32 s11, s3;
	v10 =	vld.idx.msk [tilespmem:v0+s22+$0x20 ss:$0x1], $0xffff  }
0xa6: {  	s24 =	sadd.s32 s11, s7;
	s25 =	sadd.s32 s11, s6;
	s18 =	smul.u32 $0x81, s13;
	v8 =	vld.idx.msk [tilespmem:v0+s22+$0x30 ss:$0x1], $0xffff  }
0xa7: {  	s13 =	simm.s32 $0x80;
	s10 =	sadd.s32 s11, s4;
	s11 =	simm.s32 $0x1;
	v7 =	vld.idx.msk [tilespmem:v0+s22+$0x40 ss:$0x1], $0xffff  }
0xa8: {  	_ =	sdelay $0x3  }
0xa9: {  	s14 =	sand.u32 $0x380, s13;
	s21 =	sadd.s32 s18, s12;
	v1 =	vld.idx.msk [tilespmem:v0+s22+$0x50 ss:$0x1], $0xffff;
	p1 =	sne.s32 s30, $0x2  }
.Ltmp9:
0xaa: {  	s15 =	sadd.s32 s18, s10;
	v2 =	vld.idx.msk [tilespmem:v0+s14+$0x0 ss:$0x1], $0xffff;
	[tilespmem:s21+$0x0 ss:$0x81] =	vst.msk $0xffff, v9;
	(pc) =	sbr.rel @!p1 .LBB1_9-.Ltmp9, $4  }
0xab: {  	v3 =	vld.idx.msk [tilespmem:v0+s14+$0x10 ss:$0x1], $0xffff;
	[tilespmem:s15+$0x0 ss:$0x81] =	vst.msk $0xffff, v11;
	s21 =	sadd.s32 s18, s19  }
0xac: {  	s11 =	sand.u32 $0x7, s11;
	v4 =	vld.idx.msk [tilespmem:v0+s14+$0x20 ss:$0x1], $0xffff;
	s15 =	sadd.s32 s18, s20;
	[tilespmem:s21+$0x0 ss:$0x81] =	vst.msk $0xffff, v10  }
0xad: {  	s22 =	simm.s32 $0x2;
	v5 =	vld.idx.msk [tilespmem:v0+s14+$0x30 ss:$0x1], $0xffff;
	s21 =	smul.u32 $0x81, s11;
	[tilespmem:s15+$0x0 ss:$0x81] =	vst.msk $0xffff, v8;
	s15 =	sadd.s32 s18, s24  }
0xae: {  	s13 =	sadd.s32 s18, s25;
	p0 =	por $0x1, $0x1;
	v6 =	vld.idx.msk [tilespmem:v0+s14+$0x40 ss:$0x1], $0xffff;
	s11 =	simm.s32 $0x100;
	[tilespmem:s15+$0x0 ss:$0x81] =	vst.msk $0xffff, v7  }
.LBB1_10:
0xaf: {  	s18 =	sadd.s32 s21, s12;
	[tilespmem:s13+$0x0 ss:$0x81] =	vst.msk $0xffff, v1;
	s13 =	smov.u32 s22;
	s22 =	sadd.s32 $0x1, s22  }
0xb0: {  	v1 =	vld.idx.msk [tilespmem:v0+s14+$0x50 ss:$0x1], $0xffff;
	s14 =	sand.u32 $0x380, s11;
	s15 =	smov.u32 s21;
	p1 =	sne.s32 s30, s22  }
.Ltmp10:
0xb1: {  	[tilespmem:s18+$0x0 ss:$0x81] =	vst.msk $0xffff, v2;
	v2 =	vld.idx.msk [tilespmem:v0+s14+$0x0 ss:$0x1], $0xffff;
	s18 =	sadd.s32 s15, s10;
	(pc) =	sbr.rel @p1 .LBB1_10-.Ltmp10, $4  }
0xb2: {  	[tilespmem:s18+$0x0 ss:$0x81] =	vst.msk $0xffff, v3;
	v3 =	vld.idx.msk [tilespmem:v0+s14+$0x10 ss:$0x1], $0xffff;
	s18 =	sadd.s32 s15, s19  }
0xb3: {  	s13 =	sand.u32 $0x7, s13;
	[tilespmem:s18+$0x0 ss:$0x81] =	vst.msk $0xffff, v4;
	v4 =	vld.idx.msk [tilespmem:v0+s14+$0x20 ss:$0x1], $0xffff;
	s18 =	sadd.s32 s15, s20  }
0xb4: {  	s21 =	smul.u32 $0x81, s13;
	s13 =	sadd.s32 s15, s24;
	[tilespmem:s18+$0x0 ss:$0x81] =	vst.msk $0xffff, v5;
	v5 =	vld.idx.msk [tilespmem:v0+s14+$0x30 ss:$0x1], $0xffff  }
0xb5: {  	s11 =	sadd.s32 $0x80, s11;
	[tilespmem:s13+$0x0 ss:$0x81] =	vst.msk $0xffff, v6;
	v6 =	vld.idx.msk [tilespmem:v0+s14+$0x40 ss:$0x1], $0xffff;
	s13 =	sadd.s32 s15, s25  }
0xb6: {  	_ =	sdelay $0x3  }
0xb7: {  	s18 =	smov.u32 s21;
	s22 =	smov.u32 s14;
	v9 =	vmovc v2;
	v11 =	vmovc v3;
	v10 =	vmov v4;
	v8 =	vmov v5;
	v7 =	vmov v6  }
.LBB1_12:
0xb8: {  	_ =	sdelay $0x2  }
0xb9: {  	s11 =	sadd.s32 s18, s12;
	[tilespmem:s13+$0x0 ss:$0x81] =	vst.msk @p0 $0xffff, v1;
	s23 =	sadd.s32 $0x1, s23  }
0xba: {  	v0 =	vld.idx.msk [tilespmem:v0+s22+$0x50 ss:$0x1], $0xffff;
	s10 =	sadd.s32 s18, s10;
	[tilespmem:s11+$0x0 ss:$0x81] =	vst.msk $0xffff, v9;
	p0 =	sne.s32 s23, s29  }
.Ltmp11:
0xbb: {  	s21 =	sadd.s32 s18, s19;
	[tilespmem:s10+$0x0 ss:$0x81] =	vst.msk $0xffff, v11;
	(pc) =	sbr.rel @p0 .LBB1_6-.Ltmp11, $4  }
.Ltmp12:
0xbc: {  	s22 =	sadd.s32 s18, s20;
	[tilespmem:s21+$0x0 ss:$0x81] =	vst.msk $0xffff, v10;
	(pc) =	sbr.rel @!p0 .LBB1_13-.Ltmp12, $4  }
0xbd: {  	s24 =	sadd.s32 s18, s24;
	[tilespmem:s22+$0x0 ss:$0x81] =	vst.msk $0xffff, v8  }
0xbe: {  	s25 =	sadd.s32 s18, s25;
	[tilespmem:s24+$0x0 ss:$0x81] =	vst.msk $0xffff, v7  }
0xbf: {  	[tilespmem:s25+$0x0 ss:$0x81] =	vst.msk $0xffff, v0  }
0xc0: {  	_ = 	snop  }
.LBB1_7:
.Ltmp13:
0xc1: {  	(pc) =	sbr.rel .LBB1_12-.Ltmp13, $2  }
0xc2: {  	_ =	sdelay $0x2  }
0xc3: {  	_ = 	snop  }
.LBB1_9:
.Ltmp14:
0xc4: {  	_ = 	snop;
	(pc) =	sbr.rel .LBB1_12-.Ltmp14, $2  }
0xc5: {  	_ =	sdelay $0x2  }
0xc6: {  	s18 =	smov.u32 s21;
	s22 =	smov.u32 s14;
	v9 =	vmovc v2;
	v11 =	vmovc v3;
	v10 =	vmov v4;
	v8 =	vmov v5;
	v7 =	vmov v6  }
.LBB1_17:
0xc7: {  	_ =	sfence.sel $0x180000  }
0xc8: {  	s0 =	simm.s32 $0x1;
	[bflag:$0x0] =	sbarrier.arrive $0xFFFF  }
0xc9: {  	s30 =	simm.s32 $0x2;
	[sflag:s0] =	ssyncpa.u1 $0x1  }
0xca: {  	[sflag:s30] =	ssyncpa.u1 $0x1  }
0xcb: {  	_ =	strace $0x90000047  }
0xcc: {  	s31 =	stileid.u32;
	[bflag:$0x2] =	sbarrier.arrive $0xFFFF  }
0xcd: {  	p0 =	sne.s32 s31, $0x0;
	s0 =	rddreg [dreg:$0x2]  }
0xce: {  	s0 =	sadd.s32 @!p0 $0x100000, s0  }
0xcf: {  	[sflag:s0] =	ssyncadd.tile.s32 @!p0 $0x1;
	_ =	shalt  }
.Lfunc_end1:
_tile_overlayer_lowered:
.L_overlay_start_2:
0xd0: {  	(tag) =	ssettag $0x2  }
0xd1: {  	s0 =	rddreg [dreg:$0x0];
	s2 =	stileid.u32  }
0xd2: {  	s1 =	rddreg [dreg:$0x1];
	p0 =	sne.s32 s2, $0x0  }
0xd3: {  	s3 =	rddreg [dreg:$0x2];
	[bflag:$0x3] =	sbarrier.arrive $0xFFFF;
	s2 =	simm.s32 @!p0 $0x1C01  }
0xd4: {  	[timem:s3], [sflag:s2] =	dma.local @!p0 [hbm:s0], s1  }
0xd5: {  	s0 =	simm.s32 @!p0 $0x1  }
0xd6: {  	_ =	swait.ge @!p0 [sflag:s0], s1  }
0xd7: {  	s1 =	ssub.s32 @!p0 $0x0, s1;
	[sflag:s0] =	ssyncset.done @!p0 $0x0  }
0xd8: {  	[sflag:s0] =	ssyncadd.s32 @!p0 s1  }
0xd9: {  	[bflag:$0x3] =	sbarrier.arrive $0xFFFF  }
0xda: {  	_ =	shalt  }

</sc_bundles>
